<compile_context>
chip_gen: v7x
topology: tpu7x:2x2x1
jax: 0.10.2.dev20260603
libtpu: 0.0.44.dev20260713+nightly
codegen_flags: <defaults>
</compile_context>

<pallas_src>
import functools

import jax
import jax.numpy as jnp
from jax import lax
from jax.experimental import pallas as pl
from jax.experimental.pallas import tpu as pltpu
from jax.experimental.pallas import tpu_sc as plsc

_NC = 2
_NS = 16
_NW = _NC * _NS
_C = 80
_L = 16
_NBUF = 4


def _scale_body(z_ref, r_ref, o_ref):
    o_ref[...] = z_ref[...] * r_ref[...]


def _prescale(z, rel_emb_weight):
    return pl.pallas_call(
        _scale_body,
        out_shape=jax.ShapeDtypeStruct(z.shape, z.dtype),
    )(z, rel_emb_weight)


def _make_sc_kernel(n_chunk_rows, d):
    ch_per_w = n_chunk_rows // _NW
    mesh = plsc.VectorSubcoreMesh(core_axis_name="c", subcore_axis_name="s")

    @functools.partial(
        pl.kernel,
        mesh=mesh,
        compiler_params=pltpu.CompilerParams(needs_layout_passes=False),
        out_type=jax.ShapeDtypeStruct((_NW, ch_per_w, _C), jnp.float32),
        scratch_types=[
            pltpu.VMEM((ch_per_w, _C), jnp.int32),
            pltpu.VMEM((ch_per_w, _C), jnp.int32),
            pltpu.VMEM((_NBUF, _C, d), jnp.float32),
            pltpu.VMEM((_NBUF, _C, d), jnp.float32),
            pltpu.VMEM((ch_per_w, _C), jnp.float32),
            pltpu.SemaphoreType.DMA((_NBUF,)),
        ],
    )
    def sck(zr_hbm, z_hbm, h_hbm, t_hbm, out_hbm,
            ih_v, it_v, hr_v, tr_v, out_v, sem):
        wid = lax.axis_index("s") * _NC + lax.axis_index("c")
        pltpu.sync_copy(h_hbm.at[wid], ih_v)
        pltpu.sync_copy(t_hbm.at[wid], it_v)
        iota = lax.iota(jnp.int32, _L)

        n_groups = _C // _L
        rows_g = [iota + (g * _L) for g in range(n_groups)]
        zero = jnp.zeros((_L,), jnp.float32)

        for j in range(_NBUF - 1):
            pltpu.async_copy(zr_hbm.at[ih_v.at[j]], hr_v.at[j], sem.at[j])
            pltpu.async_copy(z_hbm.at[it_v.at[j]], tr_v.at[j], sem.at[j])

        def chunk(k, carry):
            b = lax.rem(k, _NBUF)
            kn = k + _NBUF - 1
            nb = lax.rem(kn, _NBUF)

            @pl.when(kn < ch_per_w)
            def _prefetch():
                pltpu.async_copy(zr_hbm.at[ih_v.at[kn]], hr_v.at[nb],
                                 sem.at[nb])
                pltpu.async_copy(z_hbm.at[it_v.at[kn]], tr_v.at[nb],
                                 sem.at[nb])

            pltpu.make_async_copy(zr_hbm.at[ih_v.at[k]], hr_v.at[b],
                                  sem.at[b]).wait()
            pltpu.make_async_copy(z_hbm.at[it_v.at[k]], tr_v.at[b],
                                  sem.at[b]).wait()
            hr_b = hr_v.at[b]
            tr_b = tr_v.at[b]

            @plsc.parallel_loop(0, d, 1, unroll=4, carry=(zero,) * n_groups)
            def accs(dd, accs):
                cols = ((iota + dd) & 15) + (dd & -16)
                return tuple(
                    a
                    + plsc.load_gather(hr_b, [rows_g[g], cols])
                    * plsc.load_gather(tr_b, [rows_g[g], cols])
                    for g, a in enumerate(accs)
                )

            for g in range(n_groups):
                out_v[k, pl.ds(g * _L, _L)] = accs[g]
            return carry

        lax.fori_loop(0, ch_per_w, chunk, 0)
        pltpu.sync_copy(out_v, out_hbm.at[wid])

    return sck


def kernel(z, edge_label_index, rel_emb_weight):
    n_nodes, d = z.shape
    n_edges = edge_label_index.shape[1]
    zr = _prescale(z, rel_emb_weight)
    heads = edge_label_index[0].reshape(_NW, -1, _C)
    tails = edge_label_index[1].reshape(_NW, -1, _C)
    sck = _make_sc_kernel(_NW * heads.shape[1], d)
    out2 = sck(zr, z, heads, tails)
    return out2.reshape(n_edges)

# --- scband reference (transcript-rebuilt; emitter-appended) ---
"""Pipeline reference for scband-dist-mult-decoder-34419867910901 (READ-ONLY COPY).

The authoritative reference and input builder live on the scoring server;
editing this copy changes nothing except your own understanding.
"""

import jax, jax.numpy as jnp
import numpy as np

N_NODES = 10000
D = 128
N_EDGES = 320000


def setup_inputs(seed: int = 0) -> dict:
    key = jax.random.key(seed)
    k1, k2, k3 = jax.random.split(key, 3)
    z = jax.random.normal(k1, (N_NODES, D), dtype=jnp.float32)
    edge_label_index = jax.random.randint(k2, (2, N_EDGES), 0, N_NODES, dtype=jnp.int32)
    # xavier_uniform init for rel_emb.weight with shape (1, D): fan_in=1, fan_out=D
    a = float(np.sqrt(6.0 / (1 + D)))
    rel_emb_weight = jax.random.uniform(k3, (1, D), minval=-a, maxval=a, dtype=jnp.float32)
    return {"z": z, "edge_label_index": edge_label_index, "rel_emb_weight": rel_emb_weight}


def reference(z, edge_label_index, rel_emb_weight):
    # head = batch.z[edge_label_index[0]]; tail = batch.z[edge_label_index[1]]
    head = jnp.take(z, edge_label_index[0], axis=0)
    tail = jnp.take(z, edge_label_index[1], axis=0)
    rel = rel_emb_weight[0]
    return (head * rel * tail).sum(axis=-1)

if __name__ == "__main__":
    import jax
    _d = setup_inputs()
    print(jax.jit(kernel)(*tuple(_d.values())))

</pallas_src>

<mosaic_0001>
#map = affine_map<(d0, d1) -> (0, 0)>
#map1 = affine_map<(d0, d1) -> (0, 0, 0)>
module attributes {stable_mosaic.version = 14 : i64} {
  func.func @sck(%arg0: i32, %arg1: i32, %arg2: memref<10000x128xf32, #tpu.memory_space<hbm>>, %arg3: memref<10000x128xf32, #tpu.memory_space<hbm>>, %arg4: memref<32x125x80xi32, #tpu.memory_space<hbm>>, %arg5: memref<32x125x80xi32, #tpu.memory_space<hbm>>, %arg6: memref<32x125x80xf32, #tpu.memory_space<hbm>>, %arg7: memref<125x80xi32, #tpu.memory_space<vmem>>, %arg8: memref<125x80xi32, #tpu.memory_space<vmem>>, %arg9: memref<4x80x128xf32, #tpu.memory_space<vmem>>, %arg10: memref<4x80x128xf32, #tpu.memory_space<vmem>>, %arg11: memref<125x80xf32, #tpu.memory_space<vmem>>, %arg12: memref<4x!tpu.dma_semaphore, #tpu.memory_space<semaphore_mem>>) attributes {dimension_semantics = [#tpu.dimension_semantics<core_parallel>, #tpu.dimension_semantics<subcore_parallel>], iteration_bounds = array<i64: 2, 16>, scalar_prefetch = 0 : i64, scratch_operands = 6 : i64, tpu.core_type = #tpu.core_type<sc_vector_subcore>, window_params = [{transform_indices = #map}, {transform_indices = #map}, {transform_indices = #map1}, {transform_indices = #map1}, {transform_indices = #map1}]} {
    %mul3A = arith.constant 2 : i32
    %mul3A_0 = arith.muli %arg1, %mul3A : i32
    %add3A = arith.addi %mul3A_0, %arg0 : i32
    "tpu.region"() ({
      %run_scoped3A = tpu.sem_alloc : memref<!tpu.dma_semaphore, #tpu.memory_space<semaphore_mem>>
      %dma_start3A_111 = arith.constant 0 : i32
      %dma_start3A_112 = arith.constant 0 : i32
      %dma_start3A_113 = tpu.memref_slice %arg4[%add3A, %dma_start3A_111, %dma_start3A_112] : memref<32x125x80xi32, #tpu.memory_space<hbm>> -> memref<1x125x80xi32, #tpu.memory_space<hbm>>
      %dma_start3A_114 = tpu.memref_squeeze %dma_start3A_113 : memref<1x125x80xi32, #tpu.memory_space<hbm>> -> memref<125x80xi32, #tpu.memory_space<hbm>>
      %dma_start3A_115 = arith.constant 0 : i32
      %dma_start3A_116 = arith.constant 0 : i32
      %dma_start3A_117 = tpu.memref_slice %arg4[%add3A, %dma_start3A_115, %dma_start3A_116] : memref<32x125x80xi32, #tpu.memory_space<hbm>> -> memref<1x125x80xi32, #tpu.memory_space<hbm>>
      %dma_start3A_118 = tpu.memref_squeeze %dma_start3A_117 : memref<1x125x80xi32, #tpu.memory_space<hbm>> -> memref<125x80xi32, #tpu.memory_space<hbm>>
      tpu.enqueue_dma source(%dma_start3A_118 : memref<125x80xi32, #tpu.memory_space<hbm>>) target(%arg7 : memref<125x80xi32, #tpu.memory_space<vmem>>) target_semaphore(%run_scoped3A : memref<!tpu.dma_semaphore, #tpu.memory_space<semaphore_mem>>)
      %dma_wait3A = arith.constant 0 : i32
      %dma_wait3A_119 = arith.constant 0 : i32
      %dma_wait3A_120 = tpu.memref_slice %arg4[%add3A, %dma_wait3A, %dma_wait3A_119] : memref<32x125x80xi32, #tpu.memory_space<hbm>> -> memref<1x125x80xi32, #tpu.memory_space<hbm>>
      %dma_wait3A_121 = tpu.memref_squeeze %dma_wait3A_120 : memref<1x125x80xi32, #tpu.memory_space<hbm>> -> memref<125x80xi32, #tpu.memory_space<hbm>>
      %dma_wait3A_122 = arith.constant 0 : i32
      %dma_wait3A_123 = arith.constant 0 : i32
      %dma_wait3A_124 = tpu.memref_slice %arg4[%add3A, %dma_wait3A_122, %dma_wait3A_123] : memref<32x125x80xi32, #tpu.memory_space<hbm>> -> memref<1x125x80xi32, #tpu.memory_space<hbm>>
      %dma_wait3A_125 = tpu.memref_squeeze %dma_wait3A_124 : memref<1x125x80xi32, #tpu.memory_space<hbm>> -> memref<125x80xi32, #tpu.memory_space<hbm>>
      tpu.wait_dma2 semaphore(%run_scoped3A : memref<!tpu.dma_semaphore, #tpu.memory_space<semaphore_mem>>) src(%dma_wait3A_125 : memref<125x80xi32, #tpu.memory_space<hbm>>) dst(%arg7 : memref<125x80xi32, #tpu.memory_space<vmem>>)
      tpu.yield
    }) : () -> ()
    "tpu.region"() ({
      %run_scoped3A = tpu.sem_alloc : memref<!tpu.dma_semaphore, #tpu.memory_space<semaphore_mem>>
      %dma_start3A_111 = arith.constant 0 : i32
      %dma_start3A_112 = arith.constant 0 : i32
      %dma_start3A_113 = tpu.memref_slice %arg5[%add3A, %dma_start3A_111, %dma_start3A_112] : memref<32x125x80xi32, #tpu.memory_space<hbm>> -> memref<1x125x80xi32, #tpu.memory_space<hbm>>
      %dma_start3A_114 = tpu.memref_squeeze %dma_start3A_113 : memref<1x125x80xi32, #tpu.memory_space<hbm>> -> memref<125x80xi32, #tpu.memory_space<hbm>>
      %dma_start3A_115 = arith.constant 0 : i32
      %dma_start3A_116 = arith.constant 0 : i32
      %dma_start3A_117 = tpu.memref_slice %arg5[%add3A, %dma_start3A_115, %dma_start3A_116] : memref<32x125x80xi32, #tpu.memory_space<hbm>> -> memref<1x125x80xi32, #tpu.memory_space<hbm>>
      %dma_start3A_118 = tpu.memref_squeeze %dma_start3A_117 : memref<1x125x80xi32, #tpu.memory_space<hbm>> -> memref<125x80xi32, #tpu.memory_space<hbm>>
      tpu.enqueue_dma source(%dma_start3A_118 : memref<125x80xi32, #tpu.memory_space<hbm>>) target(%arg8 : memref<125x80xi32, #tpu.memory_space<vmem>>) target_semaphore(%run_scoped3A : memref<!tpu.dma_semaphore, #tpu.memory_space<semaphore_mem>>)
      %dma_wait3A = arith.constant 0 : i32
      %dma_wait3A_119 = arith.constant 0 : i32
      %dma_wait3A_120 = tpu.memref_slice %arg5[%add3A, %dma_wait3A, %dma_wait3A_119] : memref<32x125x80xi32, #tpu.memory_space<hbm>> -> memref<1x125x80xi32, #tpu.memory_space<hbm>>
      %dma_wait3A_121 = tpu.memref_squeeze %dma_wait3A_120 : memref<1x125x80xi32, #tpu.memory_space<hbm>> -> memref<125x80xi32, #tpu.memory_space<hbm>>
      %dma_wait3A_122 = arith.constant 0 : i32
      %dma_wait3A_123 = arith.constant 0 : i32
      %dma_wait3A_124 = tpu.memref_slice %arg5[%add3A, %dma_wait3A_122, %dma_wait3A_123] : memref<32x125x80xi32, #tpu.memory_space<hbm>> -> memref<1x125x80xi32, #tpu.memory_space<hbm>>
      %dma_wait3A_125 = tpu.memref_squeeze %dma_wait3A_124 : memref<1x125x80xi32, #tpu.memory_space<hbm>> -> memref<125x80xi32, #tpu.memory_space<hbm>>
      tpu.wait_dma2 semaphore(%run_scoped3A : memref<!tpu.dma_semaphore, #tpu.memory_space<semaphore_mem>>) src(%dma_wait3A_125 : memref<125x80xi32, #tpu.memory_space<hbm>>) dst(%arg8 : memref<125x80xi32, #tpu.memory_space<vmem>>)
      tpu.yield
    }) : () -> ()
    %iota3A = tpu.iota {dimensions = array<i32: 0>} : vector<16xi32>
    %add3A_1 = arith.constant 0 : i32
    %add3A_2 = vector.broadcast %add3A_1 : i32 to vector<16xi32>
    %add3A_3 = arith.addi %iota3A, %add3A_2 : vector<16xi32>
    %add3A_4 = arith.constant 16 : i32
    %add3A_5 = vector.broadcast %add3A_4 : i32 to vector<16xi32>
    %add3A_6 = arith.addi %iota3A, %add3A_5 : vector<16xi32>
    %add3A_7 = arith.constant 32 : i32
    %add3A_8 = vector.broadcast %add3A_7 : i32 to vector<16xi32>
    %add3A_9 = arith.addi %iota3A, %add3A_8 : vector<16xi32>
    %add3A_10 = arith.constant 48 : i32
    %add3A_11 = vector.broadcast %add3A_10 : i32 to vector<16xi32>
    %add3A_12 = arith.addi %iota3A, %add3A_11 : vector<16xi32>
    %add3A_13 = arith.constant 64 : i32
    %add3A_14 = vector.broadcast %add3A_13 : i32 to vector<16xi32>
    %add3A_15 = arith.addi %iota3A, %add3A_14 : vector<16xi32>
    %broadcast_in_dim3A = arith.constant 0.000000e+00 : f32
    %broadcast_in_dim3A_16 = vector.broadcast %broadcast_in_dim3A : f32 to vector<16xf32>
    %dma_start3A = arith.constant 0 : i32
    %dma_start3A_17 = arith.constant 0 : i32
    %dma_start3A_18 = arith.constant 0 : i32
    %dma_start3A_19 = arith.constant 0 : i32
    %dma_start3A_20 = arith.constant 0 : i32
    %dma_start3A_21 = tpu.memref_slice %arg9[%dma_start3A_17, %dma_start3A_19, %dma_start3A_20] : memref<4x80x128xf32, #tpu.memory_space<vmem>> -> memref<1x80x128xf32, #tpu.memory_space<vmem>>
    %dma_start3A_22 = tpu.memref_squeeze %dma_start3A_21 : memref<1x80x128xf32, #tpu.memory_space<vmem>> -> memref<80x128xf32, #tpu.memory_space<vmem>>
    %dma_start3A_23 = arith.constant 0 : i32
    %dma_start3A_24 = tpu.memref_slice %arg7[%dma_start3A, %dma_start3A_23] : memref<125x80xi32, #tpu.memory_space<vmem>> -> memref<1x80xi32, #tpu.memory_space<vmem>>
    %dma_start3A_25 = tpu.memref_squeeze %dma_start3A_24 : memref<1x80xi32, #tpu.memory_space<vmem>> -> memref<80xi32, #tpu.memory_space<vmem>>
    %dma_start3A_26 = arith.constant 0 : i32
    %dma_start3A_27 = arith.constant 0 : i32
    %dma_start3A_28 = tpu.memref_slice %arg2[%dma_start3A_26, %dma_start3A_27] : memref<10000x128xf32, #tpu.memory_space<hbm>> -> memref<10000x128xf32, #tpu.memory_space<hbm>>
    %dma_start3A_29 = tpu.memref_slice %arg12[%dma_start3A_18] : memref<4x!tpu.dma_semaphore, #tpu.memory_space<semaphore_mem>> -> memref<1x!tpu.dma_semaphore, #tpu.memory_space<semaphore_mem>>
    %dma_start3A_30 = tpu.memref_squeeze %dma_start3A_29 : memref<1x!tpu.dma_semaphore, #tpu.memory_space<semaphore_mem>> -> memref<!tpu.dma_semaphore, #tpu.memory_space<semaphore_mem>>
    tpu.enqueue_indirect_dma source(%dma_start3A_28 : memref<10000x128xf32, #tpu.memory_space<hbm>>) target(%dma_start3A_22 : memref<80x128xf32, #tpu.memory_space<vmem>>) offsets(%dma_start3A_25 : memref<80xi32, #tpu.memory_space<vmem>>) semaphore(%dma_start3A_30 : memref<!tpu.dma_semaphore, #tpu.memory_space<semaphore_mem>>)
    %dma_start3A_31 = arith.constant 0 : i32
    %dma_start3A_32 = arith.constant 0 : i32
    %dma_start3A_33 = arith.constant 0 : i32
    %dma_start3A_34 = arith.constant 0 : i32
    %dma_start3A_35 = arith.constant 0 : i32
    %dma_start3A_36 = tpu.memref_slice %arg10[%dma_start3A_32, %dma_start3A_34, %dma_start3A_35] : memref<4x80x128xf32, #tpu.memory_space<vmem>> -> memref<1x80x128xf32, #tpu.memory_space<vmem>>
    %dma_start3A_37 = tpu.memref_squeeze %dma_start3A_36 : memref<1x80x128xf32, #tpu.memory_space<vmem>> -> memref<80x128xf32, #tpu.memory_space<vmem>>
    %dma_start3A_38 = arith.constant 0 : i32
    %dma_start3A_39 = tpu.memref_slice %arg8[%dma_start3A_31, %dma_start3A_38] : memref<125x80xi32, #tpu.memory_space<vmem>> -> memref<1x80xi32, #tpu.memory_space<vmem>>
    %dma_start3A_40 = tpu.memref_squeeze %dma_start3A_39 : memref<1x80xi32, #tpu.memory_space<vmem>> -> memref<80xi32, #tpu.memory_space<vmem>>
    %dma_start3A_41 = arith.constant 0 : i32
    %dma_start3A_42 = arith.constant 0 : i32
    %dma_start3A_43 = tpu.memref_slice %arg3[%dma_start3A_41, %dma_start3A_42] : memref<10000x128xf32, #tpu.memory_space<hbm>> -> memref<10000x128xf32, #tpu.memory_space<hbm>>
    %dma_start3A_44 = tpu.memref_slice %arg12[%dma_start3A_33] : memref<4x!tpu.dma_semaphore, #tpu.memory_space<semaphore_mem>> -> memref<1x!tpu.dma_semaphore, #tpu.memory_space<semaphore_mem>>
    %dma_start3A_45 = tpu.memref_squeeze %dma_start3A_44 : memref<1x!tpu.dma_semaphore, #tpu.memory_space<semaphore_mem>> -> memref<!tpu.dma_semaphore, #tpu.memory_space<semaphore_mem>>
    tpu.enqueue_indirect_dma source(%dma_start3A_43 : memref<10000x128xf32, #tpu.memory_space<hbm>>) target(%dma_start3A_37 : memref<80x128xf32, #tpu.memory_space<vmem>>) offsets(%dma_start3A_40 : memref<80xi32, #tpu.memory_space<vmem>>) semaphore(%dma_start3A_45 : memref<!tpu.dma_semaphore, #tpu.memory_space<semaphore_mem>>)
    %dma_start3A_46 = arith.constant 1 : i32
    %dma_start3A_47 = arith.constant 1 : i32
    %dma_start3A_48 = arith.constant 1 : i32
    %dma_start3A_49 = arith.constant 0 : i32
    %dma_start3A_50 = arith.constant 0 : i32
    %dma_start3A_51 = tpu.memref_slice %arg9[%dma_start3A_47, %dma_start3A_49, %dma_start3A_50] : memref<4x80x128xf32, #tpu.memory_space<vmem>> -> memref<1x80x128xf32, #tpu.memory_space<vmem>>
    %dma_start3A_52 = tpu.memref_squeeze %dma_start3A_51 : memref<1x80x128xf32, #tpu.memory_space<vmem>> -> memref<80x128xf32, #tpu.memory_space<vmem>>
    %dma_start3A_53 = arith.constant 0 : i32
    %dma_start3A_54 = tpu.memref_slice %arg7[%dma_start3A_46, %dma_start3A_53] : memref<125x80xi32, #tpu.memory_space<vmem>> -> memref<1x80xi32, #tpu.memory_space<vmem>>
    %dma_start3A_55 = tpu.memref_squeeze %dma_start3A_54 : memref<1x80xi32, #tpu.memory_space<vmem>> -> memref<80xi32, #tpu.memory_space<vmem>>
    %dma_start3A_56 = arith.constant 0 : i32
    %dma_start3A_57 = arith.constant 0 : i32
    %dma_start3A_58 = tpu.memref_slice %arg2[%dma_start3A_56, %dma_start3A_57] : memref<10000x128xf32, #tpu.memory_space<hbm>> -> memref<10000x128xf32, #tpu.memory_space<hbm>>
    %dma_start3A_59 = tpu.memref_slice %arg12[%dma_start3A_48] : memref<4x!tpu.dma_semaphore, #tpu.memory_space<semaphore_mem>> -> memref<1x!tpu.dma_semaphore, #tpu.memory_space<semaphore_mem>>
    %dma_start3A_60 = tpu.memref_squeeze %dma_start3A_59 : memref<1x!tpu.dma_semaphore, #tpu.memory_space<semaphore_mem>> -> memref<!tpu.dma_semaphore, #tpu.memory_space<semaphore_mem>>
    tpu.enqueue_indirect_dma source(%dma_start3A_58 : memref<10000x128xf32, #tpu.memory_space<hbm>>) target(%dma_start3A_52 : memref<80x128xf32, #tpu.memory_space<vmem>>) offsets(%dma_start3A_55 : memref<80xi32, #tpu.memory_space<vmem>>) semaphore(%dma_start3A_60 : memref<!tpu.dma_semaphore, #tpu.memory_space<semaphore_mem>>)
    %dma_start3A_61 = arith.constant 1 : i32
    %dma_start3A_62 = arith.constant 1 : i32
    %dma_start3A_63 = arith.constant 1 : i32
    %dma_start3A_64 = arith.constant 0 : i32
    %dma_start3A_65 = arith.constant 0 : i32
    %dma_start3A_66 = tpu.memref_slice %arg10[%dma_start3A_62, %dma_start3A_64, %dma_start3A_65] : memref<4x80x128xf32, #tpu.memory_space<vmem>> -> memref<1x80x128xf32, #tpu.memory_space<vmem>>
    %dma_start3A_67 = tpu.memref_squeeze %dma_start3A_66 : memref<1x80x128xf32, #tpu.memory_space<vmem>> -> memref<80x128xf32, #tpu.memory_space<vmem>>
    %dma_start3A_68 = arith.constant 0 : i32
    %dma_start3A_69 = tpu.memref_slice %arg8[%dma_start3A_61, %dma_start3A_68] : memref<125x80xi32, #tpu.memory_space<vmem>> -> memref<1x80xi32, #tpu.memory_space<vmem>>
    %dma_start3A_70 = tpu.memref_squeeze %dma_start3A_69 : memref<1x80xi32, #tpu.memory_space<vmem>> -> memref<80xi32, #tpu.memory_space<vmem>>
    %dma_start3A_71 = arith.constant 0 : i32
    %dma_start3A_72 = arith.constant 0 : i32
    %dma_start3A_73 = tpu.memref_slice %arg3[%dma_start3A_71, %dma_start3A_72] : memref<10000x128xf32, #tpu.memory_space<hbm>> -> memref<10000x128xf32, #tpu.memory_space<hbm>>
    %dma_start3A_74 = tpu.memref_slice %arg12[%dma_start3A_63] : memref<4x!tpu.dma_semaphore, #tpu.memory_space<semaphore_mem>> -> memref<1x!tpu.dma_semaphore, #tpu.memory_space<semaphore_mem>>
    %dma_start3A_75 = tpu.memref_squeeze %dma_start3A_74 : memref<1x!tpu.dma_semaphore, #tpu.memory_space<semaphore_mem>> -> memref<!tpu.dma_semaphore, #tpu.memory_space<semaphore_mem>>
    tpu.enqueue_indirect_dma source(%dma_start3A_73 : memref<10000x128xf32, #tpu.memory_space<hbm>>) target(%dma_start3A_67 : memref<80x128xf32, #tpu.memory_space<vmem>>) offsets(%dma_start3A_70 : memref<80xi32, #tpu.memory_space<vmem>>) semaphore(%dma_start3A_75 : memref<!tpu.dma_semaphore, #tpu.memory_space<semaphore_mem>>)
    %dma_start3A_76 = arith.constant 2 : i32
    %dma_start3A_77 = arith.constant 2 : i32
    %dma_start3A_78 = arith.constant 2 : i32
    %dma_start3A_79 = arith.constant 0 : i32
    %dma_start3A_80 = arith.constant 0 : i32
    %dma_start3A_81 = tpu.memref_slice %arg9[%dma_start3A_77, %dma_start3A_79, %dma_start3A_80] : memref<4x80x128xf32, #tpu.memory_space<vmem>> -> memref<1x80x128xf32, #tpu.memory_space<vmem>>
    %dma_start3A_82 = tpu.memref_squeeze %dma_start3A_81 : memref<1x80x128xf32, #tpu.memory_space<vmem>> -> memref<80x128xf32, #tpu.memory_space<vmem>>
    %dma_start3A_83 = arith.constant 0 : i32
    %dma_start3A_84 = tpu.memref_slice %arg7[%dma_start3A_76, %dma_start3A_83] : memref<125x80xi32, #tpu.memory_space<vmem>> -> memref<1x80xi32, #tpu.memory_space<vmem>>
    %dma_start3A_85 = tpu.memref_squeeze %dma_start3A_84 : memref<1x80xi32, #tpu.memory_space<vmem>> -> memref<80xi32, #tpu.memory_space<vmem>>
    %dma_start3A_86 = arith.constant 0 : i32
    %dma_start3A_87 = arith.constant 0 : i32
    %dma_start3A_88 = tpu.memref_slice %arg2[%dma_start3A_86, %dma_start3A_87] : memref<10000x128xf32, #tpu.memory_space<hbm>> -> memref<10000x128xf32, #tpu.memory_space<hbm>>
    %dma_start3A_89 = tpu.memref_slice %arg12[%dma_start3A_78] : memref<4x!tpu.dma_semaphore, #tpu.memory_space<semaphore_mem>> -> memref<1x!tpu.dma_semaphore, #tpu.memory_space<semaphore_mem>>
    %dma_start3A_90 = tpu.memref_squeeze %dma_start3A_89 : memref<1x!tpu.dma_semaphore, #tpu.memory_space<semaphore_mem>> -> memref<!tpu.dma_semaphore, #tpu.memory_space<semaphore_mem>>
    tpu.enqueue_indirect_dma source(%dma_start3A_88 : memref<10000x128xf32, #tpu.memory_space<hbm>>) target(%dma_start3A_82 : memref<80x128xf32, #tpu.memory_space<vmem>>) offsets(%dma_start3A_85 : memref<80xi32, #tpu.memory_space<vmem>>) semaphore(%dma_start3A_90 : memref<!tpu.dma_semaphore, #tpu.memory_space<semaphore_mem>>)
    %dma_start3A_91 = arith.constant 2 : i32
    %dma_start3A_92 = arith.constant 2 : i32
    %dma_start3A_93 = arith.constant 2 : i32
    %dma_start3A_94 = arith.constant 0 : i32
    %dma_start3A_95 = arith.constant 0 : i32
    %dma_start3A_96 = tpu.memref_slice %arg10[%dma_start3A_92, %dma_start3A_94, %dma_start3A_95] : memref<4x80x128xf32, #tpu.memory_space<vmem>> -> memref<1x80x128xf32, #tpu.memory_space<vmem>>
    %dma_start3A_97 = tpu.memref_squeeze %dma_start3A_96 : memref<1x80x128xf32, #tpu.memory_space<vmem>> -> memref<80x128xf32, #tpu.memory_space<vmem>>
    %dma_start3A_98 = arith.constant 0 : i32
    %dma_start3A_99 = tpu.memref_slice %arg8[%dma_start3A_91, %dma_start3A_98] : memref<125x80xi32, #tpu.memory_space<vmem>> -> memref<1x80xi32, #tpu.memory_space<vmem>>
    %dma_start3A_100 = tpu.memref_squeeze %dma_start3A_99 : memref<1x80xi32, #tpu.memory_space<vmem>> -> memref<80xi32, #tpu.memory_space<vmem>>
    %dma_start3A_101 = arith.constant 0 : i32
    %dma_start3A_102 = arith.constant 0 : i32
    %dma_start3A_103 = tpu.memref_slice %arg3[%dma_start3A_101, %dma_start3A_102] : memref<10000x128xf32, #tpu.memory_space<hbm>> -> memref<10000x128xf32, #tpu.memory_space<hbm>>
    %dma_start3A_104 = tpu.memref_slice %arg12[%dma_start3A_93] : memref<4x!tpu.dma_semaphore, #tpu.memory_space<semaphore_mem>> -> memref<1x!tpu.dma_semaphore, #tpu.memory_space<semaphore_mem>>
    %dma_start3A_105 = tpu.memref_squeeze %dma_start3A_104 : memref<1x!tpu.dma_semaphore, #tpu.memory_space<semaphore_mem>> -> memref<!tpu.dma_semaphore, #tpu.memory_space<semaphore_mem>>
    tpu.enqueue_indirect_dma source(%dma_start3A_103 : memref<10000x128xf32, #tpu.memory_space<hbm>>) target(%dma_start3A_97 : memref<80x128xf32, #tpu.memory_space<vmem>>) offsets(%dma_start3A_100 : memref<80xi32, #tpu.memory_space<vmem>>) semaphore(%dma_start3A_105 : memref<!tpu.dma_semaphore, #tpu.memory_space<semaphore_mem>>)
    %scan3A = arith.constant 0 : i32
    %scan3A_106 = arith.constant 0 : i32
    %scan3A_107 = arith.constant 125 : i32
    %scan3A_108 = arith.addi %scan3A_106, %scan3A_107 : i32
    %scan3A_109 = arith.constant 1 : i32
    scf.for %scan3A_111 = %scan3A_106 to %scan3A_108 step %scan3A_109  : i32 {
      %rem3A = arith.constant 4 : i32
      %rem3A_112 = arith.remsi %scan3A_111, %rem3A : i32
      %add3A_113 = arith.constant 4 : i32
      %add3A_114 = arith.addi %scan3A_111, %add3A_113 : i32
      %sub3A = arith.constant 1 : i32
      %sub3A_115 = arith.subi %add3A_114, %sub3A : i32
      %rem3A_116 = arith.constant 4 : i32
      %rem3A_117 = arith.remsi %sub3A_115, %rem3A_116 : i32
      %lt3A = arith.constant 125 : i32
      %lt3A_118 = arith.cmpi slt, %sub3A_115, %lt3A : i32
      %convert_element_type3A = arith.extui %lt3A_118 : i1 to i32
      %cond3A = arith.constant 0 : i32
      %cond3A_119 = arith.cmpi ne, %convert_element_type3A, %cond3A : i32
      scf.if %cond3A_119 {
        %dma_start3A_160 = arith.constant 0 : i32
        %dma_start3A_161 = arith.constant 0 : i32
        %dma_start3A_162 = tpu.memref_slice %arg9[%rem3A_117, %dma_start3A_160, %dma_start3A_161] : memref<4x80x128xf32, #tpu.memory_space<vmem>> -> memref<1x80x128xf32, #tpu.memory_space<vmem>>
        %dma_start3A_163 = tpu.memref_squeeze %dma_start3A_162 : memref<1x80x128xf32, #tpu.memory_space<vmem>> -> memref<80x128xf32, #tpu.memory_space<vmem>>
        %dma_start3A_164 = arith.constant 0 : i32
        %dma_start3A_165 = tpu.memref_slice %arg7[%sub3A_115, %dma_start3A_164] : memref<125x80xi32, #tpu.memory_space<vmem>> -> memref<1x80xi32, #tpu.memory_space<vmem>>
        %dma_start3A_166 = tpu.memref_squeeze %dma_start3A_165 : memref<1x80xi32, #tpu.memory_space<vmem>> -> memref<80xi32, #tpu.memory_space<vmem>>
        %dma_start3A_167 = arith.constant 0 : i32
        %dma_start3A_168 = arith.constant 0 : i32
        %dma_start3A_169 = tpu.memref_slice %arg2[%dma_start3A_167, %dma_start3A_168] : memref<10000x128xf32, #tpu.memory_space<hbm>> -> memref<10000x128xf32, #tpu.memory_space<hbm>>
        %dma_start3A_170 = tpu.memref_slice %arg12[%rem3A_117] : memref<4x!tpu.dma_semaphore, #tpu.memory_space<semaphore_mem>> -> memref<1x!tpu.dma_semaphore, #tpu.memory_space<semaphore_mem>>
        %dma_start3A_171 = tpu.memref_squeeze %dma_start3A_170 : memref<1x!tpu.dma_semaphore, #tpu.memory_space<semaphore_mem>> -> memref<!tpu.dma_semaphore, #tpu.memory_space<semaphore_mem>>
        tpu.enqueue_indirect_dma source(%dma_start3A_169 : memref<10000x128xf32, #tpu.memory_space<hbm>>) target(%dma_start3A_163 : memref<80x128xf32, #tpu.memory_space<vmem>>) offsets(%dma_start3A_166 : memref<80xi32, #tpu.memory_space<vmem>>) semaphore(%dma_start3A_171 : memref<!tpu.dma_semaphore, #tpu.memory_space<semaphore_mem>>)
        %dma_start3A_172 = arith.constant 0 : i32
        %dma_start3A_173 = arith.constant 0 : i32
        %dma_start3A_174 = tpu.memref_slice %arg10[%rem3A_117, %dma_start3A_172, %dma_start3A_173] : memref<4x80x128xf32, #tpu.memory_space<vmem>> -> memref<1x80x128xf32, #tpu.memory_space<vmem>>
        %dma_start3A_175 = tpu.memref_squeeze %dma_start3A_174 : memref<1x80x128xf32, #tpu.memory_space<vmem>> -> memref<80x128xf32, #tpu.memory_space<vmem>>
        %dma_start3A_176 = arith.constant 0 : i32
        %dma_start3A_177 = tpu.memref_slice %arg8[%sub3A_115, %dma_start3A_176] : memref<125x80xi32, #tpu.memory_space<vmem>> -> memref<1x80xi32, #tpu.memory_space<vmem>>
        %dma_start3A_178 = tpu.memref_squeeze %dma_start3A_177 : memref<1x80xi32, #tpu.memory_space<vmem>> -> memref<80xi32, #tpu.memory_space<vmem>>
        %dma_start3A_179 = arith.constant 0 : i32
        %dma_start3A_180 = arith.constant 0 : i32
        %dma_start3A_181 = tpu.memref_slice %arg3[%dma_start3A_179, %dma_start3A_180] : memref<10000x128xf32, #tpu.memory_space<hbm>> -> memref<10000x128xf32, #tpu.memory_space<hbm>>
        %dma_start3A_182 = tpu.memref_slice %arg12[%rem3A_117] : memref<4x!tpu.dma_semaphore, #tpu.memory_space<semaphore_mem>> -> memref<1x!tpu.dma_semaphore, #tpu.memory_space<semaphore_mem>>
        %dma_start3A_183 = tpu.memref_squeeze %dma_start3A_182 : memref<1x!tpu.dma_semaphore, #tpu.memory_space<semaphore_mem>> -> memref<!tpu.dma_semaphore, #tpu.memory_space<semaphore_mem>>
        tpu.enqueue_indirect_dma source(%dma_start3A_181 : memref<10000x128xf32, #tpu.memory_space<hbm>>) target(%dma_start3A_175 : memref<80x128xf32, #tpu.memory_space<vmem>>) offsets(%dma_start3A_178 : memref<80xi32, #tpu.memory_space<vmem>>) semaphore(%dma_start3A_183 : memref<!tpu.dma_semaphore, #tpu.memory_space<semaphore_mem>>)
      } else {
      }
      %dma_wait3A = arith.constant 0 : i32
      %dma_wait3A_120 = arith.constant 0 : i32
      %dma_wait3A_121 = tpu.memref_slice %arg9[%rem3A_112, %dma_wait3A, %dma_wait3A_120] : memref<4x80x128xf32, #tpu.memory_space<vmem>> -> memref<1x80x128xf32, #tpu.memory_space<vmem>>
      %dma_wait3A_122 = tpu.memref_squeeze %dma_wait3A_121 : memref<1x80x128xf32, #tpu.memory_space<vmem>> -> memref<80x128xf32, #tpu.memory_space<vmem>>
      %dma_wait3A_123 = arith.constant 0 : i32
      %dma_wait3A_124 = tpu.memref_slice %arg7[%scan3A_111, %dma_wait3A_123] : memref<125x80xi32, #tpu.memory_space<vmem>> -> memref<1x80xi32, #tpu.memory_space<vmem>>
      %dma_wait3A_125 = tpu.memref_squeeze %dma_wait3A_124 : memref<1x80xi32, #tpu.memory_space<vmem>> -> memref<80xi32, #tpu.memory_space<vmem>>
      %dma_wait3A_126 = arith.constant 0 : i32
      %dma_wait3A_127 = arith.constant 0 : i32
      %dma_wait3A_128 = tpu.memref_slice %arg2[%dma_wait3A_126, %dma_wait3A_127] : memref<10000x128xf32, #tpu.memory_space<hbm>> -> memref<10000x128xf32, #tpu.memory_space<hbm>>
      %dma_wait3A_129 = tpu.memref_slice %arg12[%rem3A_112] : memref<4x!tpu.dma_semaphore, #tpu.memory_space<semaphore_mem>> -> memref<1x!tpu.dma_semaphore, #tpu.memory_space<semaphore_mem>>
      %dma_wait3A_130 = tpu.memref_squeeze %dma_wait3A_129 : memref<1x!tpu.dma_semaphore, #tpu.memory_space<semaphore_mem>> -> memref<!tpu.dma_semaphore, #tpu.memory_space<semaphore_mem>>
      tpu.wait_indirect_dma semaphore(%dma_wait3A_130 : memref<!tpu.dma_semaphore, #tpu.memory_space<semaphore_mem>>) src(%dma_wait3A_128 : memref<10000x128xf32, #tpu.memory_space<hbm>>) dst(%dma_wait3A_122 : memref<80x128xf32, #tpu.memory_space<vmem>>)
      %dma_wait3A_131 = arith.constant 0 : i32
      %dma_wait3A_132 = arith.constant 0 : i32
      %dma_wait3A_133 = tpu.memref_slice %arg10[%rem3A_112, %dma_wait3A_131, %dma_wait3A_132] : memref<4x80x128xf32, #tpu.memory_space<vmem>> -> memref<1x80x128xf32, #tpu.memory_space<vmem>>
      %dma_wait3A_134 = tpu.memref_squeeze %dma_wait3A_133 : memref<1x80x128xf32, #tpu.memory_space<vmem>> -> memref<80x128xf32, #tpu.memory_space<vmem>>
      %dma_wait3A_135 = arith.constant 0 : i32
      %dma_wait3A_136 = tpu.memref_slice %arg8[%scan3A_111, %dma_wait3A_135] : memref<125x80xi32, #tpu.memory_space<vmem>> -> memref<1x80xi32, #tpu.memory_space<vmem>>
      %dma_wait3A_137 = tpu.memref_squeeze %dma_wait3A_136 : memref<1x80xi32, #tpu.memory_space<vmem>> -> memref<80xi32, #tpu.memory_space<vmem>>
      %dma_wait3A_138 = arith.constant 0 : i32
      %dma_wait3A_139 = arith.constant 0 : i32
      %dma_wait3A_140 = tpu.memref_slice %arg3[%dma_wait3A_138, %dma_wait3A_139] : memref<10000x128xf32, #tpu.memory_space<hbm>> -> memref<10000x128xf32, #tpu.memory_space<hbm>>
      %dma_wait3A_141 = tpu.memref_slice %arg12[%rem3A_112] : memref<4x!tpu.dma_semaphore, #tpu.memory_space<semaphore_mem>> -> memref<1x!tpu.dma_semaphore, #tpu.memory_space<semaphore_mem>>
      %dma_wait3A_142 = tpu.memref_squeeze %dma_wait3A_141 : memref<1x!tpu.dma_semaphore, #tpu.memory_space<semaphore_mem>> -> memref<!tpu.dma_semaphore, #tpu.memory_space<semaphore_mem>>
      tpu.wait_indirect_dma semaphore(%dma_wait3A_142 : memref<!tpu.dma_semaphore, #tpu.memory_space<semaphore_mem>>) src(%dma_wait3A_140 : memref<10000x128xf32, #tpu.memory_space<hbm>>) dst(%dma_wait3A_134 : memref<80x128xf32, #tpu.memory_space<vmem>>)
      %parallel_loop3A = arith.constant 0 : i32
      %parallel_loop3A_143 = arith.constant 128 : i32
      %parallel_loop3A_144 = arith.constant 1 : i32
      %parallel_loop3A_145:5 = scf.for %parallel_loop3A_160 = %parallel_loop3A to %parallel_loop3A_143 step %parallel_loop3A_144 iter_args(%parallel_loop3A_161 = %broadcast_in_dim3A_16, %parallel_loop3A_162 = %broadcast_in_dim3A_16, %parallel_loop3A_163 = %broadcast_in_dim3A_16, %parallel_loop3A_164 = %broadcast_in_dim3A_16, %parallel_loop3A_165 = %broadcast_in_dim3A_16) -> (vector<16xf32>, vector<16xf32>, vector<16xf32>, vector<16xf32>, vector<16xf32>)  : i32 {
        %parallel_loop3A_166 = vector.broadcast %parallel_loop3A_160 : i32 to vector<16xi32>
        %parallel_loop3A_167 = arith.addi %iota3A, %parallel_loop3A_166 : vector<16xi32>
        %parallel_loop3A_168 = arith.constant 15 : i32
        %parallel_loop3A_169 = vector.broadcast %parallel_loop3A_168 : i32 to vector<16xi32>
        %parallel_loop3A_170 = arith.andi %parallel_loop3A_167, %parallel_loop3A_169 : vector<16xi32>
        %parallel_loop3A_171 = arith.constant -16 : i32
        %parallel_loop3A_172 = arith.andi %parallel_loop3A_160, %parallel_loop3A_171 : i32
        %parallel_loop3A_173 = vector.broadcast %parallel_loop3A_172 : i32 to vector<16xi32>
        %parallel_loop3A_174 = arith.addi %parallel_loop3A_170, %parallel_loop3A_173 : vector<16xi32>
        %parallel_loop3A_175 = arith.constant 0 : i32
        %parallel_loop3A_176 = arith.constant 0 : i32
        %parallel_loop3A_177 = tpu.memref_slice %arg9[%rem3A_112, %parallel_loop3A_175, %parallel_loop3A_176] : memref<4x80x128xf32, #tpu.memory_space<vmem>> -> memref<1x80x128xf32, #tpu.memory_space<vmem>>
        %parallel_loop3A_178 = tpu.memref_squeeze %parallel_loop3A_177 : memref<1x80x128xf32, #tpu.memory_space<vmem>> -> memref<80x128xf32, #tpu.memory_space<vmem>>
        %parallel_loop3A_179 = tpu.vector_load_idx %parallel_loop3A_178[%add3A_3, %parallel_loop3A_174] : memref<80x128xf32, #tpu.memory_space<vmem>>[vector<16xi32>, vector<16xi32>], vector<16xf32>,
        %parallel_loop3A_180 = arith.constant 0 : i32
        %parallel_loop3A_181 = arith.constant 0 : i32
        %parallel_loop3A_182 = tpu.memref_slice %arg10[%rem3A_112, %parallel_loop3A_180, %parallel_loop3A_181] : memref<4x80x128xf32, #tpu.memory_space<vmem>> -> memref<1x80x128xf32, #tpu.memory_space<vmem>>
        %parallel_loop3A_183 = tpu.memref_squeeze %parallel_loop3A_182 : memref<1x80x128xf32, #tpu.memory_space<vmem>> -> memref<80x128xf32, #tpu.memory_space<vmem>>
        %parallel_loop3A_184 = tpu.vector_load_idx %parallel_loop3A_183[%add3A_3, %parallel_loop3A_174] : memref<80x128xf32, #tpu.memory_space<vmem>>[vector<16xi32>, vector<16xi32>], vector<16xf32>,
        %parallel_loop3A_185 = arith.mulf %parallel_loop3A_179, %parallel_loop3A_184 : vector<16xf32>
        %parallel_loop3A_186 = arith.addf %parallel_loop3A_161, %parallel_loop3A_185 : vector<16xf32>
        %parallel_loop3A_187 = arith.constant 0 : i32
        %parallel_loop3A_188 = arith.constant 0 : i32
        %parallel_loop3A_189 = tpu.memref_slice %arg9[%rem3A_112, %parallel_loop3A_187, %parallel_loop3A_188] : memref<4x80x128xf32, #tpu.memory_space<vmem>> -> memref<1x80x128xf32, #tpu.memory_space<vmem>>
        %parallel_loop3A_190 = tpu.memref_squeeze %parallel_loop3A_189 : memref<1x80x128xf32, #tpu.memory_space<vmem>> -> memref<80x128xf32, #tpu.memory_space<vmem>>
        %parallel_loop3A_191 = tpu.vector_load_idx %parallel_loop3A_190[%add3A_6, %parallel_loop3A_174] : memref<80x128xf32, #tpu.memory_space<vmem>>[vector<16xi32>, vector<16xi32>], vector<16xf32>,
        %parallel_loop3A_192 = arith.constant 0 : i32
        %parallel_loop3A_193 = arith.constant 0 : i32
        %parallel_loop3A_194 = tpu.memref_slice %arg10[%rem3A_112, %parallel_loop3A_192, %parallel_loop3A_193] : memref<4x80x128xf32, #tpu.memory_space<vmem>> -> memref<1x80x128xf32, #tpu.memory_space<vmem>>
        %parallel_loop3A_195 = tpu.memref_squeeze %parallel_loop3A_194 : memref<1x80x128xf32, #tpu.memory_space<vmem>> -> memref<80x128xf32, #tpu.memory_space<vmem>>
        %parallel_loop3A_196 = tpu.vector_load_idx %parallel_loop3A_195[%add3A_6, %parallel_loop3A_174] : memref<80x128xf32, #tpu.memory_space<vmem>>[vector<16xi32>, vector<16xi32>], vector<16xf32>,
        %parallel_loop3A_197 = arith.mulf %parallel_loop3A_191, %parallel_loop3A_196 : vector<16xf32>
        %parallel_loop3A_198 = arith.addf %parallel_loop3A_162, %parallel_loop3A_197 : vector<16xf32>
        %parallel_loop3A_199 = arith.constant 0 : i32
        %parallel_loop3A_200 = arith.constant 0 : i32
        %parallel_loop3A_201 = tpu.memref_slice %arg9[%rem3A_112, %parallel_loop3A_199, %parallel_loop3A_200] : memref<4x80x128xf32, #tpu.memory_space<vmem>> -> memref<1x80x128xf32, #tpu.memory_space<vmem>>
        %parallel_loop3A_202 = tpu.memref_squeeze %parallel_loop3A_201 : memref<1x80x128xf32, #tpu.memory_space<vmem>> -> memref<80x128xf32, #tpu.memory_space<vmem>>
        %parallel_loop3A_203 = tpu.vector_load_idx %parallel_loop3A_202[%add3A_9, %parallel_loop3A_174] : memref<80x128xf32, #tpu.memory_space<vmem>>[vector<16xi32>, vector<16xi32>], vector<16xf32>,
        %parallel_loop3A_204 = arith.constant 0 : i32
        %parallel_loop3A_205 = arith.constant 0 : i32
        %parallel_loop3A_206 = tpu.memref_slice %arg10[%rem3A_112, %parallel_loop3A_204, %parallel_loop3A_205] : memref<4x80x128xf32, #tpu.memory_space<vmem>> -> memref<1x80x128xf32, #tpu.memory_space<vmem>>
        %parallel_loop3A_207 = tpu.memref_squeeze %parallel_loop3A_206 : memref<1x80x128xf32, #tpu.memory_space<vmem>> -> memref<80x128xf32, #tpu.memory_space<vmem>>
        %parallel_loop3A_208 = tpu.vector_load_idx %parallel_loop3A_207[%add3A_9, %parallel_loop3A_174] : memref<80x128xf32, #tpu.memory_space<vmem>>[vector<16xi32>, vector<16xi32>], vector<16xf32>,
        %parallel_loop3A_209 = arith.mulf %parallel_loop3A_203, %parallel_loop3A_208 : vector<16xf32>
        %parallel_loop3A_210 = arith.addf %parallel_loop3A_163, %parallel_loop3A_209 : vector<16xf32>
        %parallel_loop3A_211 = arith.constant 0 : i32
        %parallel_loop3A_212 = arith.constant 0 : i32
        %parallel_loop3A_213 = tpu.memref_slice %arg9[%rem3A_112, %parallel_loop3A_211, %parallel_loop3A_212] : memref<4x80x128xf32, #tpu.memory_space<vmem>> -> memref<1x80x128xf32, #tpu.memory_space<vmem>>
        %parallel_loop3A_214 = tpu.memref_squeeze %parallel_loop3A_213 : memref<1x80x128xf32, #tpu.memory_space<vmem>> -> memref<80x128xf32, #tpu.memory_space<vmem>>
        %parallel_loop3A_215 = tpu.vector_load_idx %parallel_loop3A_214[%add3A_12, %parallel_loop3A_174] : memref<80x128xf32, #tpu.memory_space<vmem>>[vector<16xi32>, vector<16xi32>], vector<16xf32>,
        %parallel_loop3A_216 = arith.constant 0 : i32
        %parallel_loop3A_217 = arith.constant 0 : i32
        %parallel_loop3A_218 = tpu.memref_slice %arg10[%rem3A_112, %parallel_loop3A_216, %parallel_loop3A_217] : memref<4x80x128xf32, #tpu.memory_space<vmem>> -> memref<1x80x128xf32, #tpu.memory_space<vmem>>
        %parallel_loop3A_219 = tpu.memref_squeeze %parallel_loop3A_218 : memref<1x80x128xf32, #tpu.memory_space<vmem>> -> memref<80x128xf32, #tpu.memory_space<vmem>>
        %parallel_loop3A_220 = tpu.vector_load_idx %parallel_loop3A_219[%add3A_12, %parallel_loop3A_174] : memref<80x128xf32, #tpu.memory_space<vmem>>[vector<16xi32>, vector<16xi32>], vector<16xf32>,
        %parallel_loop3A_221 = arith.mulf %parallel_loop3A_215, %parallel_loop3A_220 : vector<16xf32>
        %parallel_loop3A_222 = arith.addf %parallel_loop3A_164, %parallel_loop3A_221 : vector<16xf32>
        %parallel_loop3A_223 = arith.constant 0 : i32
        %parallel_loop3A_224 = arith.constant 0 : i32
        %parallel_loop3A_225 = tpu.memref_slice %arg9[%rem3A_112, %parallel_loop3A_223, %parallel_loop3A_224] : memref<4x80x128xf32, #tpu.memory_space<vmem>> -> memref<1x80x128xf32, #tpu.memory_space<vmem>>
        %parallel_loop3A_226 = tpu.memref_squeeze %parallel_loop3A_225 : memref<1x80x128xf32, #tpu.memory_space<vmem>> -> memref<80x128xf32, #tpu.memory_space<vmem>>
        %parallel_loop3A_227 = tpu.vector_load_idx %parallel_loop3A_226[%add3A_15, %parallel_loop3A_174] : memref<80x128xf32, #tpu.memory_space<vmem>>[vector<16xi32>, vector<16xi32>], vector<16xf32>,
        %parallel_loop3A_228 = arith.constant 0 : i32
        %parallel_loop3A_229 = arith.constant 0 : i32
        %parallel_loop3A_230 = tpu.memref_slice %arg10[%rem3A_112, %parallel_loop3A_228, %parallel_loop3A_229] : memref<4x80x128xf32, #tpu.memory_space<vmem>> -> memref<1x80x128xf32, #tpu.memory_space<vmem>>
        %parallel_loop3A_231 = tpu.memref_squeeze %parallel_loop3A_230 : memref<1x80x128xf32, #tpu.memory_space<vmem>> -> memref<80x128xf32, #tpu.memory_space<vmem>>
        %parallel_loop3A_232 = tpu.vector_load_idx %parallel_loop3A_231[%add3A_15, %parallel_loop3A_174] : memref<80x128xf32, #tpu.memory_space<vmem>>[vector<16xi32>, vector<16xi32>], vector<16xf32>,
        %parallel_loop3A_233 = arith.mulf %parallel_loop3A_227, %parallel_loop3A_232 : vector<16xf32>
        %parallel_loop3A_234 = arith.addf %parallel_loop3A_165, %parallel_loop3A_233 : vector<16xf32>
        scf.yield %parallel_loop3A_186, %parallel_loop3A_198, %parallel_loop3A_210, %parallel_loop3A_222, %parallel_loop3A_234 : vector<16xf32>, vector<16xf32>, vector<16xf32>, vector<16xf32>, vector<16xf32>
      } {sc.loop_unroll_factor = 4 : i64, sc.parallel_access}
      %swap3A = arith.index_cast %scan3A_111 : i32 to index
      %swap3A_146 = arith.constant 0 : index
      %swap3A_147 = tpu.vector_load %arg11[%swap3A, %swap3A_146] {strides = array<i32>} : memref<125x80xf32, #tpu.memory_space<vmem>>, vector<16xf32>,
      tpu.vector_store %arg11[%swap3A, %swap3A_146], %parallel_loop3A_145#0 {strides = array<i32>} : memref<125x80xf32, #tpu.memory_space<vmem>>, vector<16xf32>,
      %swap3A_148 = arith.index_cast %scan3A_111 : i32 to index
      %swap3A_149 = arith.constant 16 : index
      %swap3A_150 = tpu.vector_load %arg11[%swap3A_148, %swap3A_149] {strides = array<i32>} : memref<125x80xf32, #tpu.memory_space<vmem>>, vector<16xf32>,
      tpu.vector_store %arg11[%swap3A_148, %swap3A_149], %parallel_loop3A_145#1 {strides = array<i32>} : memref<125x80xf32, #tpu.memory_space<vmem>>, vector<16xf32>,
      %swap3A_151 = arith.index_cast %scan3A_111 : i32 to index
      %swap3A_152 = arith.constant 32 : index
      %swap3A_153 = tpu.vector_load %arg11[%swap3A_151, %swap3A_152] {strides = array<i32>} : memref<125x80xf32, #tpu.memory_space<vmem>>, vector<16xf32>,
      tpu.vector_store %arg11[%swap3A_151, %swap3A_152], %parallel_loop3A_145#2 {strides = array<i32>} : memref<125x80xf32, #tpu.memory_space<vmem>>, vector<16xf32>,
      %swap3A_154 = arith.index_cast %scan3A_111 : i32 to index
      %swap3A_155 = arith.constant 48 : index
      %swap3A_156 = tpu.vector_load %arg11[%swap3A_154, %swap3A_155] {strides = array<i32>} : memref<125x80xf32, #tpu.memory_space<vmem>>, vector<16xf32>,
      tpu.vector_store %arg11[%swap3A_154, %swap3A_155], %parallel_loop3A_145#3 {strides = array<i32>} : memref<125x80xf32, #tpu.memory_space<vmem>>, vector<16xf32>,
      %swap3A_157 = arith.index_cast %scan3A_111 : i32 to index
      %swap3A_158 = arith.constant 64 : index
      %swap3A_159 = tpu.vector_load %arg11[%swap3A_157, %swap3A_158] {strides = array<i32>} : memref<125x80xf32, #tpu.memory_space<vmem>>, vector<16xf32>,
      tpu.vector_store %arg11[%swap3A_157, %swap3A_158], %parallel_loop3A_145#4 {strides = array<i32>} : memref<125x80xf32, #tpu.memory_space<vmem>>, vector<16xf32>,
    }
    %scan3A_110 = arith.constant 125 : i32
    "tpu.region"() ({
      %run_scoped3A = tpu.sem_alloc : memref<!tpu.dma_semaphore, #tpu.memory_space<semaphore_mem>>
      %dma_start3A_111 = arith.constant 0 : i32
      %dma_start3A_112 = arith.constant 0 : i32
      %dma_start3A_113 = tpu.memref_slice %arg6[%add3A, %dma_start3A_111, %dma_start3A_112] : memref<32x125x80xf32, #tpu.memory_space<hbm>> -> memref<1x125x80xf32, #tpu.memory_space<hbm>>
      %dma_start3A_114 = tpu.memref_squeeze %dma_start3A_113 : memref<1x125x80xf32, #tpu.memory_space<hbm>> -> memref<125x80xf32, #tpu.memory_space<hbm>>
      %dma_start3A_115 = arith.constant 0 : i32
      %dma_start3A_116 = arith.constant 0 : i32
      %dma_start3A_117 = tpu.memref_slice %arg6[%add3A, %dma_start3A_115, %dma_start3A_116] : memref<32x125x80xf32, #tpu.memory_space<hbm>> -> memref<1x125x80xf32, #tpu.memory_space<hbm>>
      %dma_start3A_118 = tpu.memref_squeeze %dma_start3A_117 : memref<1x125x80xf32, #tpu.memory_space<hbm>> -> memref<125x80xf32, #tpu.memory_space<hbm>>
      tpu.enqueue_dma source(%arg11 : memref<125x80xf32, #tpu.memory_space<vmem>>) target(%dma_start3A_118 : memref<125x80xf32, #tpu.memory_space<hbm>>) target_semaphore(%run_scoped3A : memref<!tpu.dma_semaphore, #tpu.memory_space<semaphore_mem>>)
      %dma_wait3A = arith.constant 0 : i32
      %dma_wait3A_119 = arith.constant 0 : i32
      %dma_wait3A_120 = tpu.memref_slice %arg6[%add3A, %dma_wait3A, %dma_wait3A_119] : memref<32x125x80xf32, #tpu.memory_space<hbm>> -> memref<1x125x80xf32, #tpu.memory_space<hbm>>
      %dma_wait3A_121 = tpu.memref_squeeze %dma_wait3A_120 : memref<1x125x80xf32, #tpu.memory_space<hbm>> -> memref<125x80xf32, #tpu.memory_space<hbm>>
      %dma_wait3A_122 = arith.constant 0 : i32
      %dma_wait3A_123 = arith.constant 0 : i32
      %dma_wait3A_124 = tpu.memref_slice %arg6[%add3A, %dma_wait3A_122, %dma_wait3A_123] : memref<32x125x80xf32, #tpu.memory_space<hbm>> -> memref<1x125x80xf32, #tpu.memory_space<hbm>>
      %dma_wait3A_125 = tpu.memref_squeeze %dma_wait3A_124 : memref<1x125x80xf32, #tpu.memory_space<hbm>> -> memref<125x80xf32, #tpu.memory_space<hbm>>
      tpu.wait_dma2 semaphore(%run_scoped3A : memref<!tpu.dma_semaphore, #tpu.memory_space<semaphore_mem>>) src(%arg11 : memref<125x80xf32, #tpu.memory_space<vmem>>) dst(%dma_wait3A_125 : memref<125x80xf32, #tpu.memory_space<hbm>>)
      tpu.yield
    }) : () -> ()
    return
  }
}

module attributes {stable_mosaic.version = 14 : i64} {
  func.func @_scale_body(%arg0: memref<10000x128xf32, #tpu.memory_space<vmem>>, %arg1: memref<1x128xf32, #tpu.memory_space<vmem>>, %arg2: memref<10000x128xf32, #tpu.memory_space<vmem>>) attributes {dimension_semantics = [], scalar_prefetch = 0 : i64, scratch_operands = 0 : i64, tpu.core_type = #tpu.core_type<tc>} {
    %get3A = arith.constant 0 : index
    %get3A_0 = arith.constant 0 : index
    %get3A_1 = vector.load %arg0[%get3A, %get3A_0] : memref<10000x128xf32, #tpu.memory_space<vmem>>, vector<10000x128xf32>
    %get3A_2 = arith.constant 0 : index
    %get3A_3 = arith.constant 0 : index
    %get3A_4 = vector.load %arg1[%get3A_2, %get3A_3] : memref<1x128xf32, #tpu.memory_space<vmem>>, vector<1x128xf32>
    %mul3A = vector.broadcast %get3A_4 : vector<1x128xf32> to vector<10000x128xf32>
    %mul3A_5 = arith.mulf %get3A_1, %mul3A : vector<10000x128xf32>
    %swap3A = arith.constant 0 : index
    %swap3A_6 = arith.constant 0 : index
    %swap3A_7 = vector.load %arg2[%swap3A, %swap3A_6] : memref<10000x128xf32, #tpu.memory_space<vmem>>, vector<10000x128xf32>
    tpu.vector_store %arg2[%swap3A, %swap3A_6], %mul3A_5 {strides = array<i32>} : memref<10000x128xf32, #tpu.memory_space<vmem>>, vector<10000x128xf32>,
    return
  }
}

</mosaic_0001>

<sc_bundles>
// kernel: kernel.4.cloned.1.call-start
scs
__scs_entry_jumppad:
0x0: {  	(pc) =	sbr.rel $0x88, $3  }
0x1: {  	(tag) =	ssettag $0x0;
	lr =	simm.s32 $0x1  }
0x2: {  	[smem:$0x3F9E] =	sst lr;
	_ =	strace $0xD0000000  }
0x3: {  	_ = 	snop  }
0x4: {  	_ = 	snop  }
0x5: {  	_ = 	snop  }
0x6: {  	_ = 	snop  }
0x7: {  	_ = 	snop  }
__scs_overlays_trampoline_lowered:
0x8: {  	[smem:$0x3FAD] =	sst s0  }
0x9: {  	[smem:$0x3FAE] =	sst s1  }
0xa: {  	[smem:$0x3FAF] =	sst s2  }
0xb: {  	[smem:$0x3FB0] =	sst s3  }
0xc: {  	[smem:$0x3FB1] =	sst s4  }
0xd: {  	[smem:$0x3FB2] =	sst s5  }
0xe: {  	[smem:$0x3FB3] =	sst s6  }
0xf: {  	[smem:$0x3FB4] =	sst s7  }
0x10: {  	[smem:$0x3FB5] =	sst s8  }
0x11: {  	[smem:$0x3FB6] =	sst s9;
	s0 =	simm.s32 @!p0 $0x0  }
0x12: {  	s1 =	sld [smem:$0x3F9C];
	s0 =	simm.s32 @p0 $0x1  }
0x13: {  	[smem:$0x3FB7] =	sst s0;
	s0 =	simm.s32 @!p1 $0x0  }
0x14: {  	s2 =	sld [smem:$0x3F9B];
	s0 =	simm.s32 @p1 $0x1  }
0x15: {  	[smem:$0x3FB8] =	sst s0;
	s0 =	simm.s32 @!p2 $0x0  }
0x16: {  	s3 =	sld [smem:$0x3FDB];
	s0 =	simm.s32 @p2 $0x1  }
0x17: {  	s4 =	simm.s32 $0x1BF5;
	[smem:$0x3FBA] =	sst s0  }
0x18: {  	s0 =	sld [smem:$0x3F9D];
	_ =	swait.ge [sflag:s4], $0x0  }
0x19: {  	s7 =	sld [smem:$0x3F9E]  }
0x1a: {  	s8 =	sadd.s32 $0xFFFFE003, lr  }
0x1b: {  	s9 =	sadd.s32 $0xFFFFFEF7, lr;
	s5 =	simm.s32 $0xFFFFFFFF;
	p2 =	slt.u32 s8, $0xFFFFF086  }
0x1c: {  	p1 =	slt.u32 s9, $0xF7A;
	s5 =	simm.s32 @!p2 $0x0  }
0x1d: {  	s5 =	simm.s32 @p1 $0x1;
	p0 =	seq.s32 s7, s2  }
0x1e: {  	s7 =	smul.u32 @!p0 $0xF7A, s2;
	p2 =	seq.s32 @!p0 s5, $0x0  }
0x1f: {  	s9 =	smul.u32 $0xF7A, s1;
	s8 =	simm.s32 @!p0 $0x1BF5;
	p2 =	por !p2, p0  }
0x20: {  	[sflag:s8] =	ssyncset.s32 @!p0 $0xFFFFF086;
	s6 =	sadd.s32 @!p0 s3, s7;
	s7 =	simm.s32 @!p0 $0x108  }
0x21: {  	s3 =	sadd.s32 s3, s9;
	s6 =	sadd.s32 @!p0 $0x88, s6;
	s7 =	simm.s32 @p2 $0x1082  }
0x22: {  	[simem:s7], [sflag:s8] =	dma.local @!p0 [hbm:s6], $0xF7A  }
0x23: {  	s9 =	sor.u32 $0xD0000000, s2;
	s6 =	simm.s32 $0x108;
	_ =	swait.ge @!p0 [sflag:s8], $0x0  }
0x24: {  	s3 =	sadd.s32 $0x88, s3;
	s6 =	simm.s32 @!p1 $0x1082;
	[sflag:s4] =	ssyncset.s32 $0xFFFFF086  }
0x25: {  	[simem:s6], [sflag:s4] =	dma.local [hbm:s3], $0xF7A  }
0x26: {  	[smem:$0x3F9E] =	sst s1;
	(tag) =	ssettag s2;
	_ =	strace s9  }
0x27: {  	s1 =	sld [smem:$0x3FAE]  }
0x28: {  	s2 =	sld [smem:$0x3FAF]  }
0x29: {  	s4 =	sld [smem:$0x3FB1]  }
0x2a: {  	p0 =	seq.s32 s5, $0x0;
	s5 =	sld [smem:$0x3FB2]  }
0x2b: {  	s6 =	sld [smem:$0x3FB3]  }
0x2c: {  	s7 =	sld [smem:$0x3FB4]  }
0x2d: {  	s3 =	simm.s32 $0x108;
	s8 =	sld [smem:$0x3FB5]  }
0x2e: {  	s3 =	simm.s32 @!p0 $0x1082;
	s9 =	sld [smem:$0x3FB6]  }
0x2f: {  	lr =	sadd.s32 s0, s3;
	s0 =	sld [smem:$0x3FAD]  }
0x30: {  	s3 =	sld [smem:$0x3FB0]  }
0x31: {  	[smem:$0x3FB9] =	sst s10  }
0x32: {  	s10 =	sld [smem:$0x3FB7];
	_ =	sdelay $0x3  }
0x33: {  	p0 =	seq.s32 s10, $0x1;
	s10 =	sld [smem:$0x3FB9];
	_ =	sdelay $0x3  }
0x34: {  	[smem:$0x3FB9] =	sst s10  }
0x35: {  	s10 =	sld [smem:$0x3FB8];
	_ =	sdelay $0x3  }
0x36: {  	p1 =	seq.s32 s10, $0x1;
	s10 =	sld [smem:$0x3FB9];
	_ =	sdelay $0x3  }
0x37: {  	[smem:$0x3FB9] =	sst s10  }
0x38: {  	s10 =	sld [smem:$0x3FBA]  }
0x39: {  	_ = 	snop;
	(pc) =	sbr.ind lr, $3  }
0x3a: {  	_ = 	snop  }
0x3b: {  	_ = 	snop  }
0x3c: {  	p2 =	seq.s32 s10, $0x1;
	s10 =	sld [smem:$0x3FB9]  }
0x3d: {  	_ =	shalt  }
0x3e: {  	_ =	shalt  }
0x3f: {  	_ =	shalt  }
0x40: {  	_ =	shalt  }
0x41: {  	_ =	shalt  }
0x42: {  	_ =	shalt  }
0x43: {  	_ =	shalt  }
0x44: {  	_ =	shalt  }
0x45: {  	_ =	shalt  }
0x46: {  	_ =	shalt  }
0x47: {  	_ =	shalt  }
0x48: {  	_ =	shalt  }
0x49: {  	_ =	shalt  }
0x4a: {  	_ =	shalt  }
0x4b: {  	_ =	shalt  }
0x4c: {  	_ =	shalt  }
0x4d: {  	_ =	shalt  }
0x4e: {  	_ =	shalt  }
0x4f: {  	_ =	shalt  }
0x50: {  	_ =	shalt  }
0x51: {  	_ =	shalt  }
0x52: {  	_ =	shalt  }
0x53: {  	_ =	shalt  }
0x54: {  	_ =	shalt  }
0x55: {  	_ =	shalt  }
0x56: {  	_ =	shalt  }
0x57: {  	_ =	shalt  }
0x58: {  	_ =	shalt  }
0x59: {  	_ =	shalt  }
0x5a: {  	_ =	shalt  }
0x5b: {  	_ =	shalt  }
0x5c: {  	_ =	shalt  }
0x5d: {  	_ =	shalt  }
0x5e: {  	_ =	shalt  }
0x5f: {  	_ =	shalt  }
0x60: {  	_ =	shalt  }
0x61: {  	_ =	shalt  }
0x62: {  	_ =	shalt  }
0x63: {  	_ =	shalt  }
0x64: {  	_ =	shalt  }
0x65: {  	_ =	shalt  }
0x66: {  	_ =	shalt  }
0x67: {  	_ =	shalt  }
0x68: {  	_ =	shalt  }
0x69: {  	_ =	shalt  }
0x6a: {  	_ =	shalt  }
0x6b: {  	_ =	shalt  }
0x6c: {  	_ =	shalt  }
0x6d: {  	_ =	shalt  }
0x6e: {  	_ =	shalt  }
0x6f: {  	_ =	shalt  }
0x70: {  	_ =	shalt  }
0x71: {  	_ =	shalt  }
0x72: {  	_ =	shalt  }
0x73: {  	_ =	shalt  }
0x74: {  	_ =	shalt  }
0x75: {  	_ =	shalt  }
0x76: {  	_ =	shalt  }
0x77: {  	_ =	shalt  }
0x78: {  	_ =	shalt  }
0x79: {  	_ =	shalt  }
0x7a: {  	_ =	shalt  }
0x7b: {  	_ =	shalt  }
0x7c: {  	_ =	shalt  }
0x7d: {  	_ =	shalt  }
0x7e: {  	_ =	shalt  }
0x7f: {  	_ =	shalt  }
0x80: {  	_ =	shalt  }
0x81: {  	_ =	shalt  }
0x82: {  	_ =	shalt  }
0x83: {  	_ =	shalt  }
0x84: {  	_ =	shalt  }
0x85: {  	_ =	shalt  }
0x86: {  	_ =	shalt  }
0x87: {  	_ =	shalt  }
.Lfunc_end0:
.L_simem_size_0:
called_computation_lowered:
.L_overlay_start_0:
0x88: {  	s2 =	sld [smem:$0x3FD9]  }
0x89: {  	s3 =	sld [smem:$0x3FFE];
	_ =	sdelay $0x1  }
0x8a: {  	s1 =	srdreg.scid  }
0x8b: {  	s0 =	sand.u32 $0x1, s1  }
0x8c: {  	s17 =	sshll.u32 s0, $0xA;
	s2 =	sadd.s32 s3, s2  }
0x8d: {  	s2 =	sadd.s32 s2, s17  }
0x8e: {  	[smem:$0x3FC5] =	sst s2  }
0x8f: {  	_ = 	snop  }
0x90: {  	s2 =	sld [smem:$0x3FC9];
	(tm) =	ssettm $0x1  }
0x91: {  	s18 =	sld [smem:$0x3FFB];
	_ =	sdelay $0x3  }
0x92: {  	_ =	strace s18  }
0x93: {  	s3 =	sld [smem:$0x3FFC];
	_ =	sdelay $0x3  }
0x94: {  	_ =	strace s3  }
0x95: {  	s3 =	sld [smem:$0x3FFD];
	_ =	sdelay $0x3  }
0x96: {  	_ =	strace s3  }
0x97: {  	_ =	strace $0x8FFFFFFF  }
0x98: {  	s19 =	sld [smem:$0x3FDB];
	_ =	sdelay $0x1  }
0x99: {  	s4 =	simm.s32 $_scs_section_size  }
0x9a: {  	s5 =	simm.s32 $_size__tile_overlayer_lowered;
	s6 =	simm.s32 $_tile_overlayer_lowered  }
0x9b: {  	s22 =	simm.s32 $0x1BFF;
	s21 =	sshll.u32 s6, $0x1;
	s3 =	sadd.s32 s4, s19  }
0x9c: {  	s7 =	simm.s32 $0x0;
	s20 =	sshll.u32 s5, $0x1;
	s5 =	sadd.s32 s21, s3  }
0x9d: {  	[timem:s7], [sflag:s22] =	dma.local [hbm:s5], s20  }
0x9e: {  	_ =	swait.ge [sflag:s22], s20  }
0x9f: {  	s4 =	ssub.s32 $0x0, s20;
	[sflag:s22] =	ssyncset.done $0x0  }
0xa0: {  	[sflag:s22] =	ssyncadd.s32 s4;
	_ =	sdelay $0x1  }
0xa1: {  	s23 =	simm.s32 $0x1B8B  }
0xa2: {  	_ =	swait.ge [sflag:s23], $0x1  }
0xa3: {  	[sflag:s23] =	ssyncset.done $0x0  }
0xa4: {  	s25 =	simm.s32 $0x1B8E;
	s24 =	sld [smem:$0x3FFE];
	[sflag:s23] =	ssyncadd.s32 $0xFFFFFFFF  }
0xa5: {  	s26 =	simm.s32 $execute0_lowered;
	[smem:$0x3FD2] =	sst s25  }
0xa6: {  	s5 =	sshll.u32 s26, $0x1;
	_ =	strace $0x80000046;
	[dreg:$0x1] =	wrdreg $0xFFFFFFFF  }
0xa7: {  	s28 =	simm.s32 $_size_execute0_lowered;
	s3 =	sadd.s32 s3, s5;
	[dreg:$0x0] =	wrdreg $0x0  }
0xa8: {  	s5 =	sshll.u32 s28, $0x1;
	[dreg:$0x2] =	wrdreg s3  }
0xa9: {  	[dreg:$0x3] =	wrdreg s5  }
0xaa: {  	[dreg:$0x4] =	wrdreg $0xC0  }
0xab: {  	_ =	task [dreg:s7], $0x5FFFF  }
0xac: {  	[dreg:$0x1] =	wrdreg $0xFFFFFFFF  }
0xad: {  	[dreg:$0x0] =	wrdreg $0x60  }
0xae: {  	[dreg:$0x2] =	wrdreg s24  }
0xaf: {  	[dreg:$0x3] =	wrdreg s2  }
0xb0: {  	[dreg:$0x4] =	wrdreg $0x9  }
0xb1: {  	_ =	task.clear_ibuf [dreg:s7], $0x5FFFF;
	_ =	strace $0x90000046  }
0xb2: {  	s29 =	simm.s32 $0x9;
	_ =	strace $0x80000048  }
0xb3: {  	_ =	swait.ge [sflag:s29], $0x1  }
0xb4: {  	[sflag:s29] =	ssyncadd.s32 $0xFFFFFFFF  }
0xb5: {  	_ =	strace $0x90000048  }
0xb6: {  	_ =	sfence  }
0xb7: {  	s30 =	sld [smem:$0x0];
	_ =	sdelay $0x2  }
0xb8: {  	s31 =	sshll.u32 s1, $0xD;
	s1 =	sshrl.u32 s1, $0x2  }
0xb9: {  	s3 =	sand.u32 $0x4000, s31;
	s1 =	sadd.s32 s1, s30  }
0xba: {  	s0 =	sor.u32 s3, s0;
	s1 =	sshll.u32 s1, $0x11  }
0xbb: {  	s0 =	sor.u32 s1, s0  }
0xbc: {  	s0 =	sadd.s32 $0x8F2B, s0  }
0xbd: {  	[sflag:s0] =	ssyncadd.remote.s32 $0x1  }
0xbe: {  	_ =	sfence.sel $0xFFFF  }
0xbf: {  	[dreg:$0x0] =	wrdreg $0xFFFFFFFF;
	(pc) =	sbr.abs _section_cstart, $3  }
0xc0: {  	[dreg:$0x1] =	wrdreg $0xFFFFFFFF  }
0xc1: {  	_ =	task.clear_ibuf [dreg:s7], $0x2FFFF;
	_ =	strace $0x9FFFFFFF  }
0xc2: {  	(tm) =	ssettm $0x7FFFFFFF  }
0xc3: {  	_ =	shalt  }
tec
execute0_lowered:
.L_overlay_start_1:
0x0: {  	(tag) =	ssettag $0x1  }
0x1: {  	s4 =	rddreg [dreg:$0x0]  }
0x2: {  	s2 =	rddreg [dreg:$0x1];
	s3 =	srdreg.scid  }
0x3: {  	s0 =	rddreg [dreg:$0x2];
	s1 =	stileid.u32;
	s9 =	simm.s32 $0x5  }
0x4: {  	s10 =	simm.s32 $0x4000;
	s11 =	simm.s32 $0x50;
	s12 =	simm.s32 $0x8000  }
0x5: {  	s13 =	simm.s32 $0x12000;
	s14 =	simm.s32 $0x80;
	s15 =	simm.s32 $0xA800  }
0x6: {  	s16 =	simm.s32 $0x4080;
	s17 =	simm.s32 $0x14800;
	s18 =	simm.s32 $0x100  }
0x7: {  	s19 =	simm.s32 $0xD000;
	s20 =	simm.s32 $0x4100;
	s21 =	simm.s32 $0x17000  }
0x8: {  	s22 =	simm.s32 $0x1C000;
	s23 =	simm.s32 $0x0;
	s5 =	sand.u32 $0x1, s3  }
0x9: {  	v0 =	vlaneseq.u32;
	s3 =	simm.s32 $0x0;
	s6 =	sshll.u32 s1, $0xC;
	s7 =	sshll.u32 s5, $0xB  }
0xa: {  	v1 =	vmul.u32 $0x80, v0;
	[smem:$0x7FF] =	sst s3;
	s5 =	ssub.s32 $0x2, s5;
	s6 =	sor.u32 s7, s6  }
0xb: {  	_ =	strace $0x80000047;
	s31 =	sshrl.u32 s5, $0x1;
	s7 =	sadd.s32 s6, s4  }
0xc: {  	v2 =	vor.u32 $0x800, v1;
	s4 =	sadd.s32 $0x20200, s4;
	s8 =	ssub.s32 s5, s31;
	s5 =	sadd.s32 $0x10200, s7  }
0xd: {  	v3 =	vor.u32 $0x1000, v1;
	v4 =	vor.u32 $0x1800, v1;
	v5 =	vor.u32 $0x2000, v1;
	s6 =	sadd.s32 $0x200, s7;
	s7 =	sadd.s32 $0x47400, s7;
	s8 =	smax.u32 s8, $0x1  }
.LBB2_1:
0xe: {  	[tilespmem:s3], [sflag:$0x5] =	stream.linear.gather [hbm4b:s5+s3], $0x3E80, $0x38;
	v63 =	vld [tilespmem:$0x0]  }
0xf: {  	_ =	swait.ge [sflag:s9], $0x3E80  }
0x10: {  	[sflag:s9] =	ssyncset.done $0x0  }
0x11: {  	[sflag:s9] =	ssyncadd.s32 $0xFFFFC180  }
0x12: {  	[tilespmem:s10], [sflag:$0x5] =	stream.linear.gather [hbm4b:s6+s3], $0x3E80, $0x38;
	v63 =	vld [tilespmem:$0x0]  }
0x13: {  	_ =	swait.ge [sflag:s9], $0x3E80  }
0x14: {  	[sflag:s9] =	ssyncset.done $0x0  }
0x15: {  	[sflag:s9] =	ssyncadd.s32 $0xFFFFC180  }
0x16: {  	[tilespmem:s12], [sflag:$0x1] =	stream.indirect.gather [hbm4b:s4+s11], $0x80, s3, s11, $0xb8;
	v63 =	vld [tilespmem:$0x0]  }
0x17: {  	_ = 	snop  }
0x18: {  	[tilespmem:s13], [sflag:$0x1] =	stream.indirect.gather [hbm4b:s2+s11], $0x80, s10, s11, $0xb8;
	v63 =	vld [tilespmem:$0x0]  }
0x19: {  	_ = 	snop  }
0x1a: {  	[tilespmem:s15], [sflag:$0x2] =	stream.indirect.gather [hbm4b:s4+s11], $0x80, s14, s11, $0xb8;
	v63 =	vld [tilespmem:$0x0]  }
0x1b: {  	_ = 	snop  }
0x1c: {  	[tilespmem:s17], [sflag:$0x2] =	stream.indirect.gather [hbm4b:s2+s11], $0x80, s16, s11, $0xb8;
	v63 =	vld [tilespmem:$0x0]  }
0x1d: {  	_ = 	snop  }
0x1e: {  	[tilespmem:s19], [sflag:$0x3] =	stream.indirect.gather [hbm4b:s4+s11], $0x80, s18, s11, $0xb8;
	v63 =	vld [tilespmem:$0x0]  }
0x1f: {  	s24 =	simm.s32 $0x0  }
0x20: {  	[tilespmem:s21], [sflag:$0x3] =	stream.indirect.gather [hbm4b:s2+s11], $0x80, s20, s11, $0xb8;
	v63 =	vld [tilespmem:$0x0]  }
.LBB2_2:
0x21: {  	p0 =	sgt.u32 s24, $0x79  }
0x22: {  	s25 =	sadd.s32 @!p0 $0x3, s24  }
0x23: {  	s26 =	sand.u32 @!p0 $0x3, s25  }
0x24: {  	s28 =	smul.u32 @!p0 $0x2800, s26  }
0x25: {  	s30 =	simm.s32 @!p0 $0x50  }
0x26: {  	s25 =	sshll.u32 @!p0 s25, $0x7;
	s26 =	sadd.s32 @!p0 $0x1, s26;
	s29 =	sor.u32 @!p0 $0x8000, s28  }
0x27: {  	[tilespmem:s29], [sflag:s26] =	stream.indirect.gather @!p0 [hbm4b:s4+s30], $0x80, s25, s30, $0xb8;
	v63 =	vld [tilespmem:$0x0]  }
0x28: {  	s28 =	sadd.s32 @!p0 $0x12000, s28;
	s25 =	sadd.s32 @!p0 $0x4000, s25;
	s29 =	simm.s32 $0x0  }
0x29: {  	v6 =	vmov s29;
	[tilespmem:s28], [sflag:s26] =	stream.indirect.gather @!p0 [hbm4b:s2+s30], $0x80, s25, s30, $0xb8;
	v63 =	vld [tilespmem:$0x0]  }
0x2a: {  	v6 =	vand.u32 $0x70, v6;
	s30 =	simm.s32 $0x3  }
0x2b: {  	s31 =	sand.u32 $0x3, s24;
	v18 =	vbroadcast v6, $0x0;
	v6 =	vadd.s32 s30, v0  }
0x2c: {  	s30 =	sadd.s32 $0x1, s31;
	v6 =	vand.u32 $0xF, v6  }
0x2d: {  	_ =	swait.ge [sflag:s30], $0x2800;
	v16 =	vor.u32 v18, v6  }
0x2e: {  	[sflag:s30] =	ssyncset.done $0x0;
	v6 =	vor.u32 v1, v16  }
0x2f: {  	[sflag:s30] =	ssyncadd.s32 $0xFFFFD800  }
0x30: {  	s28 =	smul.u32 $0x2800, s31;
	v7 =	vor.u32 v2, v16;
	_ =	swait.ge [sflag:s30], $0x2800  }
0x31: {  	[sflag:s30] =	ssyncset.done $0x0  }
0x32: {  	s31 =	simm.s32 $0x2;
	s26 =	sor.u32 $0x8000, s28;
	v12 =	vor.u32 v3, v16;
	[sflag:s30] =	ssyncadd.s32 $0xFFFFD800  }
0x33: {  	s25 =	sadd.s32 $0x12000, s28;
	v8 =	vadd.s32 s31, v0;
	v9 =	vld.idx.msk [tilespmem:v6+s26+$0x0], $0xffff  }
0x34: {  	v8 =	vand.u32 $0xF, v8;
	v15 =	vor.u32 v4, v16;
	v10 =	vld.idx.msk [tilespmem:v6+s25+$0x0], $0xffff  }
0x35: {  	v8 =	vor.u32 v18, v8;
	v11 =	vld.idx.msk [tilespmem:v7+s26+$0x0], $0xffff  }
0x36: {  	v19 =	vor.u32 v1, v8;
	v14 =	vld.idx.msk [tilespmem:v7+s25+$0x0], $0xffff  }
0x37: {  	v13 =	vld.idx.msk [tilespmem:v12+s26+$0x0], $0xffff  }
0x38: {  	v20 =	vor.u32 v2, v8;
	v17 =	vld.idx.msk [tilespmem:v12+s25+$0x0], $0xffff  }
0x39: {  	s28 =	simm.s32 $0x1;
	v6 =	vld.idx.msk [tilespmem:v15+s26+$0x0], $0xffff  }
0x3a: {  	v12 =	vor.u32 v3, v8;
	v7 =	vld.idx.msk [tilespmem:v15+s25+$0x0], $0xffff;
	v15 =	vadd.s32 s28, v0  }
0x3b: {  	v23 =	vld.idx.msk [tilespmem:v19+s26+$0x0], $0xffff;
	v15 =	vand.u32 $0xF, v15  }
0x3c: {  	v25 =	vld.idx.msk [tilespmem:v19+s25+$0x0], $0xffff;
	v19 =	vor.u32 v4, v8;
	v36 =	vor.u32 v18, v15  }
0x3d: {  	v24 =	vld.idx.msk [tilespmem:v20+s26+$0x0], $0xffff;
	v21 =	vor.u32 v1, v36  }
0x3e: {  	v26 =	vld.idx.msk [tilespmem:v20+s25+$0x0], $0xffff  }
0x3f: {  	v27 =	vld.idx.msk [tilespmem:v12+s26+$0x0], $0xffff  }
0x40: {  	v20 =	vor.u32 v2, v36;
	v28 =	vld.idx.msk [tilespmem:v12+s25+$0x0], $0xffff  }
0x41: {  	v12 =	vld.idx.msk [tilespmem:v19+s26+$0x0], $0xffff  }
0x42: {  	v29 =	vor.u32 v3, v36;
	v37 =	vld.idx.msk [tilespmem:v21+s26+$0x0], $0xffff  }
0x43: {  	v38 =	vld.idx.msk [tilespmem:v21+s25+$0x0], $0xffff;
	v21 =	vadd.s32 s29, v0  }
0x44: {  	v15 =	vld.idx.msk [tilespmem:v19+s25+$0x0], $0xffff;
	v19 =	vor.u32 v4, v36;
	v21 =	vand.u32 $0xF, v21  }
0x45: {  	v32 =	vld.idx.msk [tilespmem:v20+s26+$0x0], $0xffff;
	v30 =	vor.u32 v18, v21  }
0x46: {  	v33 =	vld.idx.msk [tilespmem:v20+s25+$0x0], $0xffff;
	v41 =	vor.u32 v1, v30  }
0x47: {  	v34 =	vld.idx.msk [tilespmem:v29+s26+$0x0], $0xffff  }
0x48: {  	v35 =	vld.idx.msk [tilespmem:v29+s25+$0x0], $0xffff;
	v40 =	vor.u32 v2, v30  }
0x49: {  	v22 =	vimm.f32 $0.0e+00;
	v20 =	vimm.f32 $0.0e+00;
	v21 =	vimm.f32 $0.0e+00;
	v29 =	vld.idx.msk [tilespmem:v19+s26+$0x0], $0xffff  }
0x4a: {  	s28 =	simm.s32 $0x4;
	v18 =	vimm.f32 $0.0e+00;
	v39 =	vor.u32 v3, v30;
	v31 =	vld.idx.msk [tilespmem:v19+s25+$0x0], $0xffff;
	v19 =	vimm.f32 $0.0e+00  }
.LBB2_3:
0x4b: {  	p0 =	slt.u32 s28, $0x7C;
	v42 =	vld.idx.msk [tilespmem:v41+s26+$0x0], $0xffff  }
0x4c: {  	v43 =	vor.u32 v4, v30;
	v41 =	vld.idx.msk [tilespmem:v41+s25+$0x0], $0xffff  }
0x4d: {  	v44 =	vmov s28;
	v45 =	vld.idx.msk [tilespmem:v40+s26+$0x0], $0xffff  }
0x4e: {  	s29 =	sadd.s32 $0x3, s28;
	v46 =	vor.u32 v5, v30;
	v44 =	vand.u32 $0x70, v44;
	v40 =	vld.idx.msk [tilespmem:v40+s25+$0x0], $0xffff  }
0x4f: {  	s30 =	sadd.s32 $0x2, s28;
	v30 =	vbroadcast v44, $0x0;
	v44 =	vadd.s32 s29, v0;
	v47 =	vld.idx.msk [tilespmem:v39+s26+$0x0], $0xffff  }
0x50: {  	v36 =	vor.u32 v5, v36;
	v48 =	vadd.s32 s30, v0;
	v44 =	vand.u32 $0xF, v44;
	v39 =	vld.idx.msk [tilespmem:v39+s25+$0x0], $0xffff  }
0x51: {  	v48 =	vand.u32 $0xF, v48;
	v44 =	vor.u32 v30, v44;
	v49 =	vld.idx.msk [tilespmem:v43+s26+$0x0], $0xffff  }
0x52: {  	v41 =	vmul.f32 v41, v42;
	v42 =	vld.idx.msk [tilespmem:v43+s25+$0x0], $0xffff;
	v43 =	vor.u32 v5, v8;
	v8 =	vor.u32 v30, v48  }
0x53: {  	v50 =	vor.u32 v2, v44;
	v51 =	vor.u32 v3, v44;
	v48 =	vor.u32 v1, v44;
	v52 =	vld.idx.msk [tilespmem:v46+s26+$0x0], $0xffff  }
0x54: {  	v37 =	vmul.f32 v38, v37;
	v16 =	vor.u32 v5, v16;
	v22 =	vadd.f32 v41, v22;
	v41 =	vld.idx.msk [tilespmem:v46+s25+$0x0], $0xffff  }
0x55: {  	v9 =	vmul.f32 v10, v9;
	v53 =	vmul.f32 v14, v11;
	v38 =	vor.u32 v4, v44;
	v46 =	vld.idx.msk [tilespmem:v36+s26+$0x0], $0xffff  }
0x56: {  	v14 =	vmul.f32 v25, v23;
	v23 =	vmul.f32 v17, v13;
	v10 =	vadd.f32 v37, v22;
	v11 =	vld.idx.msk [tilespmem:v36+s25+$0x0], $0xffff  }
0x57: {  	v17 =	vmul.f32 v26, v24;
	v24 =	vmul.f32 v28, v27;
	v25 =	vor.u32 v1, v8;
	v13 =	vld.idx.msk [tilespmem:v43+s26+$0x0], $0xffff  }
0x58: {  	v26 =	vmul.f32 v33, v32;
	v27 =	vmul.f32 v35, v34;
	v10 =	vadd.f32 v14, v10;
	v28 =	vld.idx.msk [tilespmem:v43+s25+$0x0], $0xffff  }
0x59: {  	v32 =	vor.u32 v2, v8;
	v33 =	vmul.f32 v39, v47;
	v14 =	vmul.f32 v40, v45;
	v34 =	vld.idx.msk [tilespmem:v16+s26+$0x0], $0xffff  }
0x5a: {  	v35 =	vmul.f32 v42, v49;
	v36 =	vmul.f32 v41, v52;
	v22 =	vadd.f32 v9, v10;
	v16 =	vld.idx.msk [tilespmem:v16+s25+$0x0], $0xffff  }
0x5b: {  	v19 =	vadd.f32 v33, v19;
	v14 =	vadd.f32 v14, v21;
	v21 =	vmul.f32 v31, v29;
	v9 =	vld.idx.msk [tilespmem:v48+s26+$0x0], $0xffff  }
0x5c: {  	v20 =	vadd.f32 v35, v20;
	v18 =	vadd.f32 v36, v18;
	v29 =	vmul.f32 v11, v46;
	v10 =	vld.idx.msk [tilespmem:v48+s25+$0x0], $0xffff  }
0x5d: {  	v12 =	vmul.f32 v15, v12;
	v19 =	vadd.f32 v27, v19;
	v26 =	vadd.f32 v26, v14;
	v11 =	vld.idx.msk [tilespmem:v50+s26+$0x0], $0xffff  }
0x5e: {  	v15 =	vadd.f32 v21, v20;
	v18 =	vadd.f32 v29, v18;
	v20 =	vmul.f32 v28, v13;
	v14 =	vld.idx.msk [tilespmem:v50+s25+$0x0], $0xffff  }
0x5f: {  	v19 =	vadd.f32 v24, v19;
	v24 =	vmul.f32 v7, v6;
	v21 =	vadd.f32 v17, v26;
	v13 =	vld.idx.msk [tilespmem:v51+s26+$0x0], $0xffff  }
0x60: {  	v12 =	vadd.f32 v12, v15;
	v15 =	vadd.f32 v20, v18;
	v18 =	vmul.f32 v16, v34;
	v17 =	vld.idx.msk [tilespmem:v51+s25+$0x0], $0xffff  }
0x61: {  	v19 =	vadd.f32 v23, v19;
	v21 =	vadd.f32 v53, v21;
	v16 =	vmov v44;
	v6 =	vld.idx.msk [tilespmem:v38+s26+$0x0], $0xffff  }
0x62: {  	s29 =	sadd.s32 $0x1, s28;
	v28 =	vor.u32 v3, v8;
	v20 =	vadd.f32 v24, v12;
	v18 =	vadd.f32 v18, v15;
	v7 =	vld.idx.msk [tilespmem:v38+s25+$0x0], $0xffff  }
0x63: {  	v12 =	vadd.s32 s29, v0;
	v23 =	vld.idx.msk [tilespmem:v25+s26+$0x0], $0xffff  }
0x64: {  	v12 =	vand.u32 $0xF, v12;
	v15 =	vor.u32 v4, v8;
	v25 =	vld.idx.msk [tilespmem:v25+s25+$0x0], $0xffff  }
0x65: {  	v36 =	vor.u32 v30, v12;
	v24 =	vld.idx.msk [tilespmem:v32+s26+$0x0], $0xffff  }
0x66: {  	v29 =	vor.u32 v1, v36;
	v26 =	vld.idx.msk [tilespmem:v32+s25+$0x0], $0xffff  }
0x67: {  	v27 =	vld.idx.msk [tilespmem:v28+s26+$0x0], $0xffff  }
0x68: {  	v31 =	vor.u32 v2, v36;
	v28 =	vld.idx.msk [tilespmem:v28+s25+$0x0], $0xffff  }
0x69: {  	v12 =	vld.idx.msk [tilespmem:v15+s26+$0x0], $0xffff  }
0x6a: {  	v35 =	vor.u32 v3, v36;
	v15 =	vld.idx.msk [tilespmem:v15+s25+$0x0], $0xffff  }
0x6b: {  	v32 =	vadd.s32 s28, v0;
	v37 =	vld.idx.msk [tilespmem:v29+s26+$0x0], $0xffff  }
0x6c: {  	v42 =	vor.u32 v4, v36;
	v32 =	vand.u32 $0xF, v32;
	v38 =	vld.idx.msk [tilespmem:v29+s25+$0x0], $0xffff  }
0x6d: {  	v30 =	vor.u32 v30, v32;
	v32 =	vld.idx.msk [tilespmem:v31+s26+$0x0], $0xffff  }
.Ltmp0:
0x6e: {  	v41 =	vor.u32 v1, v30;
	v33 =	vld.idx.msk [tilespmem:v31+s25+$0x0], $0xffff;
	(pc) =	sbr.rel @p0 .LBB2_3-.Ltmp0, $4  }
0x6f: {  	v34 =	vld.idx.msk [tilespmem:v35+s26+$0x0], $0xffff  }
0x70: {  	v40 =	vor.u32 v2, v30;
	v35 =	vld.idx.msk [tilespmem:v35+s25+$0x0], $0xffff  }
0x71: {  	v29 =	vld.idx.msk [tilespmem:v42+s26+$0x0], $0xffff  }
0x72: {  	s28 =	sadd.s32 $0x4, s28;
	v39 =	vor.u32 v3, v30;
	v31 =	vld.idx.msk [tilespmem:v42+s25+$0x0], $0xffff  }
0x73: {  	_ =	sdelay $0x3  }
0x74: {  	v42 =	vld.idx.msk [tilespmem:v41+s26+$0x0], $0xffff  }
0x75: {  	v56 =	vld.idx.msk [tilespmem:v41+s25+$0x0], $0xffff;
	v43 =	vor.u32 v4, v30  }
0x76: {  	v44 =	vld.idx.msk [tilespmem:v40+s26+$0x0], $0xffff  }
0x77: {  	v57 =	vld.idx.msk [tilespmem:v40+s25+$0x0], $0xffff;
	v58 =	vor.u32 v5, v30  }
0x78: {  	v45 =	vld.idx.msk [tilespmem:v39+s26+$0x0], $0xffff  }
0x79: {  	v59 =	vld.idx.msk [tilespmem:v39+s25+$0x0], $0xffff  }
0x7a: {  	v36 =	vor.u32 v5, v36;
	v46 =	vld.idx.msk [tilespmem:v43+s26+$0x0], $0xffff  }
0x7b: {  	v60 =	vld.idx.msk [tilespmem:v43+s25+$0x0], $0xffff  }
0x7c: {  	v8 =	vor.u32 v5, v8;
	v37 =	vmul.f32 v38, v37;
	v9 =	vmul.f32 v10, v9;
	v61 =	vld.idx.msk [tilespmem:v58+s26+$0x0], $0xffff  }
0x7d: {  	v11 =	vmul.f32 v14, v11;
	v41 =	vmul.f32 v56, v42;
	v62 =	vld.idx.msk [tilespmem:v58+s25+$0x0], $0xffff  }
0x7e: {  	v16 =	vor.u32 v5, v16;
	v38 =	vmul.f32 v25, v23;
	v13 =	vmul.f32 v17, v13  }
0x7f: {  	v47 =	vmul.f32 v26, v24;
	v48 =	vld.idx.msk [tilespmem:v36+s25+$0x0], $0xffff;
	v50 =	vmul.f32 v57, v44;
	v22 =	vadd.f32 v41, v22  }
0x80: {  	v49 =	vmul.f32 v28, v27;
	v53 =	vmul.f32 v59, v45;
	v41 =	vld.idx.msk [tilespmem:v36+s26+$0x0], $0xffff  }
0x81: {  	v52 =	vmul.f32 v33, v32;
	v51 =	vld.idx.msk [tilespmem:v8+s26+$0x0], $0xffff;
	v21 =	vadd.f32 v50, v21;
	v22 =	vadd.f32 v37, v22  }
0x82: {  	v8 =	vld.idx.msk [tilespmem:v8+s25+$0x0], $0xffff;
	v57 =	vadd.f32 v53, v19;
	v55 =	vmul.f32 v60, v46;
	v10 =	vmul.f32 v62, v61  }
0x83: {  	v54 =	vmul.f32 v35, v34;
	v56 =	vld.idx.msk [tilespmem:v16+s26+$0x0], $0xffff;
	v21 =	vadd.f32 v52, v21;
	v14 =	vadd.f32 v38, v22  }
0x84: {  	v16 =	vld.idx.msk [tilespmem:v16+s25+$0x0], $0xffff;
	v58 =	vmul.f32 v31, v29;
	v20 =	vadd.f32 v55, v20;
	v10 =	vadd.f32 v10, v18  }
0x85: {  	v59 =	vmul.f32 v48, v41;
	v9 =	vadd.f32 v9, v14;
	v14 =	vadd.f32 v54, v57  }
0x86: {  	v12 =	vmul.f32 v15, v12;
	v17 =	vadd.f32 v47, v21;
	v60 =	vadd.f32 v58, v20  }
0x87: {  	s31 =	sshll.u32 s24, $0x7;
	s24 =	sadd.s32 $0x1, s24;
	v8 =	vmul.f32 v8, v51;
	v10 =	vadd.f32 v59, v10;
	v14 =	vadd.f32 v49, v14  }
0x88: {  	v6 =	vmul.f32 v7, v6;
	p0 =	sne.s32 s24, $0x7D;
	s25 =	sand.u32 $0x3FFFFF80, s31;
	v11 =	vadd.f32 v11, v17;
	v7 =	vadd.f32 v12, v60  }
.Ltmp1:
0x89: {  	v61 =	vmul.f32 v16, v56;
	[tilespmem:s25+$0x1C000] =	vst v9;
	v8 =	vadd.f32 v8, v10;
	v62 =	vadd.f32 v13, v14;
	(pc) =	sbr.rel @p0 .LBB2_2-.Ltmp1, $4  }
0x8a: {  	[tilespmem:s25+$0x1C010] =	vst v11;
	v6 =	vadd.f32 v6, v7  }
0x8b: {  	v7 =	vadd.f32 v61, v8;
	[tilespmem:s25+$0x1C020] =	vst v62  }
0x8c: {  	[tilespmem:s25+$0x1C030] =	vst v6  }
0x8d: {  	[tilespmem:s25+$0x1C040] =	vst v7  }
0x8e: {  	s23 =	sadd.s32 $0x1, s23  }
0x8f: {  	p0 =	sne.s32 s23, s8  }
.Ltmp2:
0x90: {  	_ = 	snop;
	(pc) =	sbr.rel @p0 .LBB2_1-.Ltmp2, $4  }
0x91: {  	[hbm4b:s7+s3] =	stream.linear.scatter [tilespmem:s22], [sflag:$0x5], $0x3E80, $0x38;
	v63 =	vld [tilespmem:$0x0]  }
0x92: {  	_ =	swait.ge [sflag:s9], $0x3E80  }
0x93: {  	[sflag:s9] =	ssyncset.done $0x0  }
0x94: {  	[sflag:s9] =	ssyncadd.s32 $0xFFFFC180  }
0x95: {  	_ =	sfence.sel $0x180000  }
0x96: {  	[bflag:$0x0] =	sbarrier.arrive $0xFFFF  }
0x97: {  	p0 =	sne.s32 s1, $0x0;
	_ =	strace $0x90000047  }
0x98: {  	s0 =	sadd.s32 @!p0 $0x100000, s0;
	[bflag:$0x2] =	sbarrier.arrive $0xFFFF  }
0x99: {  	[sflag:s0] =	ssyncadd.tile.s32 @!p0 $0x1;
	_ =	shalt  }
.Lfunc_end2:
_tile_overlayer_lowered:
.L_overlay_start_2:
0x9a: {  	(tag) =	ssettag $0x2  }
0x9b: {  	s0 =	rddreg [dreg:$0x0];
	s2 =	stileid.u32  }
0x9c: {  	s1 =	rddreg [dreg:$0x1];
	p0 =	sne.s32 s2, $0x0  }
0x9d: {  	s3 =	rddreg [dreg:$0x2];
	[bflag:$0x3] =	sbarrier.arrive $0xFFFF;
	s2 =	simm.s32 @!p0 $0x1C05  }
0x9e: {  	[timem:s3], [sflag:s2] =	dma.local @!p0 [hbm:s0], s1  }
0x9f: {  	s0 =	simm.s32 @!p0 $0x5  }
0xa0: {  	_ =	swait.ge @!p0 [sflag:s0], s1  }
0xa1: {  	s1 =	ssub.s32 @!p0 $0x0, s1;
	[sflag:s0] =	ssyncset.done @!p0 $0x0  }
0xa2: {  	[sflag:s0] =	ssyncadd.s32 @!p0 s1  }
0xa3: {  	[bflag:$0x3] =	sbarrier.arrive $0xFFFF  }
0xa4: {  	_ =	shalt  }

</sc_bundles>
